<compile_context>
chip_gen: v7x
topology: tpu7x:2x2x1
jax: 0.10.2.dev20260603
libtpu: 0.0.44.dev20260713+nightly
codegen_flags: <defaults>
</compile_context>

<pallas_src>
import functools

import jax
import jax.numpy as jnp
from jax import lax
from jax.experimental import pallas as pl
from jax.experimental.pallas import tpu as pltpu
from jax.experimental.pallas import tpu_sc as plsc

_B, _H, _W = 256, 64, 1024
_N = 50000
_NW = 32
_BPW = _B // _NW
_CHUNK = 2000
_NCHUNK = _N // _CHUNK
_NPAIR = (_NCHUNK - 1) // 2
_NQUAD = _NCHUNK // 4
_VPC = _CHUNK // 16


def _make_kernel():
    mesh = plsc.VectorSubcoreMesh(core_axis_name="c", subcore_axis_name="s")

    @functools.partial(
        pl.kernel,
        mesh=mesh,
        out_type=jax.ShapeDtypeStruct((_B * _N,), jnp.float32),
        compiler_params=pltpu.CompilerParams(needs_layout_passes=False),
        scratch_types=[
            pltpu.VMEM((_N,), jnp.int32),
            pltpu.VMEM((_H, _W), jnp.float32),
            pltpu.VMEM((_CHUNK,), jnp.float32),
            pltpu.VMEM((_CHUNK,), jnp.float32),
            pltpu.VMEM((_CHUNK,), jnp.float32),
            pltpu.VMEM((_CHUNK,), jnp.float32),
            pltpu.VMEM((_CHUNK,), jnp.float32),
            pltpu.VMEM((_CHUNK,), jnp.float32),
            pltpu.SemaphoreType.DMA,
            pltpu.SemaphoreType.DMA,
            pltpu.SemaphoreType.DMA,
            pltpu.SemaphoreType.DMA,
            pltpu.SemaphoreType.DMA,
            pltpu.SemaphoreType.DMA,
        ],
    )
    def gather_kernel(x_hbm, y_hbm, data_hbm, out_hbm,
                      idx_v, row_v, o0_v, o1_v, o2_v, o3_v, xb_v, yb_v,
                      sem0, sem1, sem2, sem3, semb, semr):
        wid = lax.axis_index("s") * 2 + lax.axis_index("c")
        b0 = wid * _BPW
        obufs = (o0_v, o1_v, o2_v, o3_v)
        osems = (sem0, sem1, sem2, sem3)

        pltpu.async_copy(data_hbm.at[b0], row_v, semr)

        def start_load(c, xbuf, ybuf, semx, semy):
            base = pl.multiple_of(c * _CHUNK, _CHUNK)
            pltpu.async_copy(x_hbm.at[pl.ds(base, _CHUNK)], xbuf, semx)
            pltpu.async_copy(y_hbm.at[pl.ds(base, _CHUNK)], ybuf, semy)

        def wait_load(c, xbuf, ybuf, semx, semy):
            base = pl.multiple_of(c * _CHUNK, _CHUNK)
            pltpu.make_async_copy(x_hbm.at[pl.ds(base, _CHUNK)], xbuf, semx).wait()
            pltpu.make_async_copy(y_hbm.at[pl.ds(base, _CHUNK)], ybuf, semy).wait()

        def pack_chunk(c, xbuf, ybuf):
            base = pl.multiple_of(c * _CHUNK, _CHUNK)

            @plsc.parallel_loop(0, _VPC, unroll=8)
            def _build(j):
                xv = plsc.bitcast(xbuf[pl.ds(j * 16, 16)], jnp.int32)
                yv = plsc.bitcast(ybuf[pl.ds(j * 16, 16)], jnp.int32)
                idx_v[pl.ds(base + j * 16, 16)] = (xv << 10) | yv

        start_load(0, o2_v, o3_v, sem2, sem3)

        def build_pair(t, carry):
            c0 = t * 2
            wait_load(c0, o2_v, o3_v, sem2, sem3)
            start_load(c0 + 1, xb_v, yb_v, semb, semb)
            pack_chunk(c0, o2_v, o3_v)
            wait_load(c0 + 1, xb_v, yb_v, semb, semb)
            start_load(c0 + 2, o2_v, o3_v, sem2, sem3)
            pack_chunk(c0 + 1, xb_v, yb_v)
            return carry

        lax.fori_loop(0, _NPAIR, build_pair, None)
        wait_load(_NCHUNK - 1, o2_v, o3_v, sem2, sem3)
        pack_chunk(_NCHUNK - 1, o2_v, o3_v)

        def gather_chunk(buf, cbase):
            @plsc.parallel_loop(0, _VPC, unroll=8)
            def _gather(j):
                pk = idx_v[pl.ds(cbase + j * 16, 16)]
                ix = pk >> 10
                iy = pk & 1023
                buf[pl.ds(j * 16, 16)] = plsc.load_gather(row_v, [ix, iy])

        def do_batch(i, carry):
            b = b0 + i
            out_off = pl.multiple_of(b * _N, 8)
            pltpu.make_async_copy(data_hbm.at[b], row_v, semr).wait()

            def quad(t, carry2):
                qbase = pl.multiple_of(t * 4 * _CHUNK, _CHUNK)
                for k in range(4):
                    base = qbase + k * _CHUNK
                    dst = out_hbm.at[pl.ds(out_off + base, _CHUNK)]
                    buf, sem = obufs[k], osems[k]

                    @pl.when(t > 0)
                    def _wait(buf=buf, dst=dst, sem=sem):
                        pltpu.make_async_copy(buf, dst, sem).wait()

                    gather_chunk(buf, base)
                    pltpu.async_copy(buf, dst, sem)
                return carry2

            lax.fori_loop(0, _NQUAD, quad, None)

            tail = pl.multiple_of(4 * _NQUAD * _CHUNK, _CHUNK)
            dst_t = out_hbm.at[pl.ds(out_off + tail, _CHUNK)]
            pltpu.make_async_copy(o0_v, dst_t, sem0).wait()
            gather_chunk(o0_v, tail)
            pltpu.async_copy(o0_v, dst_t, sem0)

            @pl.when(i + 1 < _BPW)
            def _prefetch():
                pltpu.async_copy(data_hbm.at[b + 1], row_v, semr)

            pltpu.make_async_copy(o1_v, dst_t, sem1).wait()
            pltpu.make_async_copy(o2_v, dst_t, sem2).wait()
            pltpu.make_async_copy(o3_v, dst_t, sem3).wait()
            pltpu.make_async_copy(o0_v, dst_t, sem0).wait()
            return carry

        lax.fori_loop(0, _BPW, do_batch, None)

    return gather_kernel


_gather = _make_kernel()


def kernel(data, x_indices, y_indices):
    x = lax.bitcast_convert_type(x_indices.astype(jnp.int32), jnp.float32)
    y = lax.bitcast_convert_type(y_indices.astype(jnp.int32), jnp.float32)
    out = _gather(x, y, data)
    return out.reshape(_B, _N)

# --- scband reference (transcript-rebuilt; emitter-appended) ---
"""Pipeline reference for scband-my-model-61933428409760 (READ-ONLY COPY).

The authoritative reference and input builder live on the scoring server;
editing this copy changes nothing except your own understanding.
"""

import jax, jax.numpy as jnp
import numpy as np


def setup_inputs(seed: int = 0) -> dict:
    key = jax.random.key(seed)
    k1, k2, k3 = jax.random.split(key, 3)
    data = jax.random.normal(k1, (256, 64, 1024), dtype=jnp.float32)
    x_indices = jax.random.randint(k2, (50000,), 0, 64, dtype=jnp.int64)
    y_indices = jax.random.randint(k3, (50000,), 0, 1024, dtype=jnp.int64)
    return {"data": data, "x_indices": x_indices, "y_indices": y_indices}


def reference(data, x_indices, y_indices):
    B, H, W = data.shape
    indices_linear = x_indices * W + y_indices  # [50000]
    indices_linear = jnp.broadcast_to(indices_linear[None, :], (B, indices_linear.shape[0]))
    data_flat = data.reshape(B, H * W)
    out = jnp.take_along_axis(data_flat, indices_linear, axis=1)
    return out

if __name__ == "__main__":
    import jax
    _d = setup_inputs()
    print(jax.jit(kernel)(*tuple(_d.values())))

</pallas_src>

<mosaic_0001>
#map = affine_map<(d0, d1) -> (0)>
#map1 = affine_map<(d0, d1) -> (0, 0, 0)>
module attributes {stable_mosaic.version = 14 : i64} {
  func.func @gather_kernel(%arg0: i32, %arg1: i32, %arg2: memref<50000xf32, #tpu.memory_space<hbm>>, %arg3: memref<50000xf32, #tpu.memory_space<hbm>>, %arg4: memref<256x64x1024xf32, #tpu.memory_space<hbm>>, %arg5: memref<12800000xf32, #tpu.memory_space<hbm>>, %arg6: memref<50000xi32, #tpu.memory_space<vmem>>, %arg7: memref<64x1024xf32, #tpu.memory_space<vmem>>, %arg8: memref<2000xf32, #tpu.memory_space<vmem>>, %arg9: memref<2000xf32, #tpu.memory_space<vmem>>, %arg10: memref<2000xf32, #tpu.memory_space<vmem>>, %arg11: memref<2000xf32, #tpu.memory_space<vmem>>, %arg12: memref<2000xf32, #tpu.memory_space<vmem>>, %arg13: memref<2000xf32, #tpu.memory_space<vmem>>, %arg14: memref<!tpu.dma_semaphore, #tpu.memory_space<semaphore_mem>>, %arg15: memref<!tpu.dma_semaphore, #tpu.memory_space<semaphore_mem>>, %arg16: memref<!tpu.dma_semaphore, #tpu.memory_space<semaphore_mem>>, %arg17: memref<!tpu.dma_semaphore, #tpu.memory_space<semaphore_mem>>, %arg18: memref<!tpu.dma_semaphore, #tpu.memory_space<semaphore_mem>>, %arg19: memref<!tpu.dma_semaphore, #tpu.memory_space<semaphore_mem>>) attributes {dimension_semantics = [#tpu.dimension_semantics<core_parallel>, #tpu.dimension_semantics<subcore_parallel>], iteration_bounds = array<i64: 2, 16>, scalar_prefetch = 0 : i64, scratch_operands = 14 : i64, tpu.core_type = #tpu.core_type<sc_vector_subcore>, window_params = [{transform_indices = #map}, {transform_indices = #map}, {transform_indices = #map1}, {transform_indices = #map}]} {
    %mul3A = arith.constant 2 : i32
    %mul3A_0 = arith.muli %arg1, %mul3A : i32
    %add3A = arith.addi %mul3A_0, %arg0 : i32
    %mul3A_1 = arith.constant 8 : i32
    %mul3A_2 = arith.muli %add3A, %mul3A_1 : i32
    %dma_start3A = arith.constant 0 : i32
    %dma_start3A_3 = arith.constant 0 : i32
    %dma_start3A_4 = tpu.memref_slice %arg4[%mul3A_2, %dma_start3A, %dma_start3A_3] : memref<256x64x1024xf32, #tpu.memory_space<hbm>> -> memref<1x64x1024xf32, #tpu.memory_space<hbm>>
    %dma_start3A_5 = tpu.memref_squeeze %dma_start3A_4 : memref<1x64x1024xf32, #tpu.memory_space<hbm>> -> memref<64x1024xf32, #tpu.memory_space<hbm>>
    %dma_start3A_6 = arith.constant 0 : i32
    %dma_start3A_7 = arith.constant 0 : i32
    %dma_start3A_8 = tpu.memref_slice %arg4[%mul3A_2, %dma_start3A_6, %dma_start3A_7] : memref<256x64x1024xf32, #tpu.memory_space<hbm>> -> memref<1x64x1024xf32, #tpu.memory_space<hbm>>
    %dma_start3A_9 = tpu.memref_squeeze %dma_start3A_8 : memref<1x64x1024xf32, #tpu.memory_space<hbm>> -> memref<64x1024xf32, #tpu.memory_space<hbm>>
    tpu.enqueue_dma source(%dma_start3A_9 : memref<64x1024xf32, #tpu.memory_space<hbm>>) target(%arg7 : memref<64x1024xf32, #tpu.memory_space<vmem>>) target_semaphore(%arg19 : memref<!tpu.dma_semaphore, #tpu.memory_space<semaphore_mem>>)
    %multiple_of3A = arith.constant 0 : i32
    %multiple_of3A_10 = tpu.assume_multiple %multiple_of3A, 2000 : i32
    %dma_start3A_11 = tpu.memref_slice %arg2[%multiple_of3A_10] : memref<50000xf32, #tpu.memory_space<hbm>> -> memref<2000xf32, #tpu.memory_space<hbm>>
    %dma_start3A_12 = tpu.memref_slice %arg2[%multiple_of3A_10] : memref<50000xf32, #tpu.memory_space<hbm>> -> memref<2000xf32, #tpu.memory_space<hbm>>
    tpu.enqueue_dma source(%dma_start3A_12 : memref<2000xf32, #tpu.memory_space<hbm>>) target(%arg10 : memref<2000xf32, #tpu.memory_space<vmem>>) target_semaphore(%arg16 : memref<!tpu.dma_semaphore, #tpu.memory_space<semaphore_mem>>)
    %dma_start3A_13 = tpu.memref_slice %arg3[%multiple_of3A_10] : memref<50000xf32, #tpu.memory_space<hbm>> -> memref<2000xf32, #tpu.memory_space<hbm>>
    %dma_start3A_14 = tpu.memref_slice %arg3[%multiple_of3A_10] : memref<50000xf32, #tpu.memory_space<hbm>> -> memref<2000xf32, #tpu.memory_space<hbm>>
    tpu.enqueue_dma source(%dma_start3A_14 : memref<2000xf32, #tpu.memory_space<hbm>>) target(%arg11 : memref<2000xf32, #tpu.memory_space<vmem>>) target_semaphore(%arg17 : memref<!tpu.dma_semaphore, #tpu.memory_space<semaphore_mem>>)
    %scan3A = arith.constant 0 : i32
    %scan3A_15 = arith.constant 12 : i32
    %scan3A_16 = arith.addi %scan3A, %scan3A_15 : i32
    %scan3A_17 = arith.constant 1 : i32
    scf.for %scan3A_33 = %scan3A to %scan3A_16 step %scan3A_17  : i32 {
      %mul3A_34 = arith.constant 2 : i32
      %mul3A_35 = arith.muli %scan3A_33, %mul3A_34 : i32
      %mul3A_36 = arith.constant 2000 : i32
      %mul3A_37 = arith.muli %mul3A_35, %mul3A_36 : i32
      %multiple_of3A_38 = tpu.assume_multiple %mul3A_37, 2000 : i32
      %dma_wait3A_39 = tpu.memref_slice %arg2[%multiple_of3A_38] : memref<50000xf32, #tpu.memory_space<hbm>> -> memref<2000xf32, #tpu.memory_space<hbm>>
      %dma_wait3A_40 = tpu.memref_slice %arg2[%multiple_of3A_38] : memref<50000xf32, #tpu.memory_space<hbm>> -> memref<2000xf32, #tpu.memory_space<hbm>>
      tpu.wait_dma2 semaphore(%arg16 : memref<!tpu.dma_semaphore, #tpu.memory_space<semaphore_mem>>) src(%dma_wait3A_40 : memref<2000xf32, #tpu.memory_space<hbm>>) dst(%arg10 : memref<2000xf32, #tpu.memory_space<vmem>>)
      %dma_wait3A_41 = tpu.memref_slice %arg3[%multiple_of3A_38] : memref<50000xf32, #tpu.memory_space<hbm>> -> memref<2000xf32, #tpu.memory_space<hbm>>
      %dma_wait3A_42 = tpu.memref_slice %arg3[%multiple_of3A_38] : memref<50000xf32, #tpu.memory_space<hbm>> -> memref<2000xf32, #tpu.memory_space<hbm>>
      tpu.wait_dma2 semaphore(%arg17 : memref<!tpu.dma_semaphore, #tpu.memory_space<semaphore_mem>>) src(%dma_wait3A_42 : memref<2000xf32, #tpu.memory_space<hbm>>) dst(%arg11 : memref<2000xf32, #tpu.memory_space<vmem>>)
      %add3A_43 = arith.constant 1 : i32
      %add3A_44 = arith.addi %mul3A_35, %add3A_43 : i32
      %mul3A_45 = arith.constant 2000 : i32
      %mul3A_46 = arith.muli %add3A_44, %mul3A_45 : i32
      %multiple_of3A_47 = tpu.assume_multiple %mul3A_46, 2000 : i32
      %dma_start3A_48 = tpu.memref_slice %arg2[%multiple_of3A_47] : memref<50000xf32, #tpu.memory_space<hbm>> -> memref<2000xf32, #tpu.memory_space<hbm>>
      %dma_start3A_49 = tpu.memref_slice %arg2[%multiple_of3A_47] : memref<50000xf32, #tpu.memory_space<hbm>> -> memref<2000xf32, #tpu.memory_space<hbm>>
      tpu.enqueue_dma source(%dma_start3A_49 : memref<2000xf32, #tpu.memory_space<hbm>>) target(%arg12 : memref<2000xf32, #tpu.memory_space<vmem>>) target_semaphore(%arg18 : memref<!tpu.dma_semaphore, #tpu.memory_space<semaphore_mem>>)
      %dma_start3A_50 = tpu.memref_slice %arg3[%multiple_of3A_47] : memref<50000xf32, #tpu.memory_space<hbm>> -> memref<2000xf32, #tpu.memory_space<hbm>>
      %dma_start3A_51 = tpu.memref_slice %arg3[%multiple_of3A_47] : memref<50000xf32, #tpu.memory_space<hbm>> -> memref<2000xf32, #tpu.memory_space<hbm>>
      tpu.enqueue_dma source(%dma_start3A_51 : memref<2000xf32, #tpu.memory_space<hbm>>) target(%arg13 : memref<2000xf32, #tpu.memory_space<vmem>>) target_semaphore(%arg18 : memref<!tpu.dma_semaphore, #tpu.memory_space<semaphore_mem>>)
      %mul3A_52 = arith.constant 2000 : i32
      %mul3A_53 = arith.muli %mul3A_35, %mul3A_52 : i32
      %multiple_of3A_54 = tpu.assume_multiple %mul3A_53, 2000 : i32
      %parallel_loop3A_55 = arith.constant 0 : i32
      %parallel_loop3A_56 = arith.constant 125 : i32
      %parallel_loop3A_57 = arith.constant 1 : i32
      scf.for %parallel_loop3A_84 = %parallel_loop3A_55 to %parallel_loop3A_56 step %parallel_loop3A_57  : i32 {
        %parallel_loop3A_85 = arith.constant 16 : i32
        %parallel_loop3A_86 = arith.muli %parallel_loop3A_84, %parallel_loop3A_85 : i32
        %parallel_loop3A_87 = arith.index_cast %parallel_loop3A_86 : i32 to index
        %parallel_loop3A_88 = tpu.vector_load %arg10[%parallel_loop3A_87] {strides = array<i32>} : memref<2000xf32, #tpu.memory_space<vmem>>, vector<16xf32>,
        %parallel_loop3A_89 = vector.bitcast %parallel_loop3A_88 : vector<16xf32> to vector<16xi32>
        %parallel_loop3A_90 = arith.constant 16 : i32
        %parallel_loop3A_91 = arith.muli %parallel_loop3A_84, %parallel_loop3A_90 : i32
        %parallel_loop3A_92 = arith.index_cast %parallel_loop3A_91 : i32 to index
        %parallel_loop3A_93 = tpu.vector_load %arg11[%parallel_loop3A_92] {strides = array<i32>} : memref<2000xf32, #tpu.memory_space<vmem>>, vector<16xf32>,
        %parallel_loop3A_94 = vector.bitcast %parallel_loop3A_93 : vector<16xf32> to vector<16xi32>
        %parallel_loop3A_95 = arith.constant 10 : i32
        %parallel_loop3A_96 = vector.broadcast %parallel_loop3A_95 : i32 to vector<16xi32>
        %parallel_loop3A_97 = arith.shli %parallel_loop3A_89, %parallel_loop3A_96 : vector<16xi32>
        %parallel_loop3A_98 = arith.ori %parallel_loop3A_97, %parallel_loop3A_94 : vector<16xi32>
        %parallel_loop3A_99 = arith.constant 16 : i32
        %parallel_loop3A_100 = arith.muli %parallel_loop3A_84, %parallel_loop3A_99 : i32
        %parallel_loop3A_101 = arith.addi %multiple_of3A_54, %parallel_loop3A_100 : i32
        %parallel_loop3A_102 = arith.index_cast %parallel_loop3A_101 : i32 to index
        %parallel_loop3A_103 = tpu.vector_load %arg6[%parallel_loop3A_102] {strides = array<i32>} : memref<50000xi32, #tpu.memory_space<vmem>>, vector<16xi32>,
        tpu.vector_store %arg6[%parallel_loop3A_102], %parallel_loop3A_98 {strides = array<i32>} : memref<50000xi32, #tpu.memory_space<vmem>>, vector<16xi32>,
      } {sc.loop_unroll_factor = 8 : i64, sc.parallel_access}
      %add3A_58 = arith.constant 1 : i32
      %add3A_59 = arith.addi %mul3A_35, %add3A_58 : i32
      %mul3A_60 = arith.constant 2000 : i32
      %mul3A_61 = arith.muli %add3A_59, %mul3A_60 : i32
      %multiple_of3A_62 = tpu.assume_multiple %mul3A_61, 2000 : i32
      %dma_wait3A_63 = tpu.memref_slice %arg2[%multiple_of3A_62] : memref<50000xf32, #tpu.memory_space<hbm>> -> memref<2000xf32, #tpu.memory_space<hbm>>
      %dma_wait3A_64 = tpu.memref_slice %arg2[%multiple_of3A_62] : memref<50000xf32, #tpu.memory_space<hbm>> -> memref<2000xf32, #tpu.memory_space<hbm>>
      tpu.wait_dma2 semaphore(%arg18 : memref<!tpu.dma_semaphore, #tpu.memory_space<semaphore_mem>>) src(%dma_wait3A_64 : memref<2000xf32, #tpu.memory_space<hbm>>) dst(%arg12 : memref<2000xf32, #tpu.memory_space<vmem>>)
      %dma_wait3A_65 = tpu.memref_slice %arg3[%multiple_of3A_62] : memref<50000xf32, #tpu.memory_space<hbm>> -> memref<2000xf32, #tpu.memory_space<hbm>>
      %dma_wait3A_66 = tpu.memref_slice %arg3[%multiple_of3A_62] : memref<50000xf32, #tpu.memory_space<hbm>> -> memref<2000xf32, #tpu.memory_space<hbm>>
      tpu.wait_dma2 semaphore(%arg18 : memref<!tpu.dma_semaphore, #tpu.memory_space<semaphore_mem>>) src(%dma_wait3A_66 : memref<2000xf32, #tpu.memory_space<hbm>>) dst(%arg13 : memref<2000xf32, #tpu.memory_space<vmem>>)
      %add3A_67 = arith.constant 2 : i32
      %add3A_68 = arith.addi %mul3A_35, %add3A_67 : i32
      %mul3A_69 = arith.constant 2000 : i32
      %mul3A_70 = arith.muli %add3A_68, %mul3A_69 : i32
      %multiple_of3A_71 = tpu.assume_multiple %mul3A_70, 2000 : i32
      %dma_start3A_72 = tpu.memref_slice %arg2[%multiple_of3A_71] : memref<50000xf32, #tpu.memory_space<hbm>> -> memref<2000xf32, #tpu.memory_space<hbm>>
      %dma_start3A_73 = tpu.memref_slice %arg2[%multiple_of3A_71] : memref<50000xf32, #tpu.memory_space<hbm>> -> memref<2000xf32, #tpu.memory_space<hbm>>
      tpu.enqueue_dma source(%dma_start3A_73 : memref<2000xf32, #tpu.memory_space<hbm>>) target(%arg10 : memref<2000xf32, #tpu.memory_space<vmem>>) target_semaphore(%arg16 : memref<!tpu.dma_semaphore, #tpu.memory_space<semaphore_mem>>)
      %dma_start3A_74 = tpu.memref_slice %arg3[%multiple_of3A_71] : memref<50000xf32, #tpu.memory_space<hbm>> -> memref<2000xf32, #tpu.memory_space<hbm>>
      %dma_start3A_75 = tpu.memref_slice %arg3[%multiple_of3A_71] : memref<50000xf32, #tpu.memory_space<hbm>> -> memref<2000xf32, #tpu.memory_space<hbm>>
      tpu.enqueue_dma source(%dma_start3A_75 : memref<2000xf32, #tpu.memory_space<hbm>>) target(%arg11 : memref<2000xf32, #tpu.memory_space<vmem>>) target_semaphore(%arg17 : memref<!tpu.dma_semaphore, #tpu.memory_space<semaphore_mem>>)
      %add3A_76 = arith.constant 1 : i32
      %add3A_77 = arith.addi %mul3A_35, %add3A_76 : i32
      %mul3A_78 = arith.constant 2000 : i32
      %mul3A_79 = arith.muli %add3A_77, %mul3A_78 : i32
      %multiple_of3A_80 = tpu.assume_multiple %mul3A_79, 2000 : i32
      %parallel_loop3A_81 = arith.constant 0 : i32
      %parallel_loop3A_82 = arith.constant 125 : i32
      %parallel_loop3A_83 = arith.constant 1 : i32
      scf.for %parallel_loop3A_84 = %parallel_loop3A_81 to %parallel_loop3A_82 step %parallel_loop3A_83  : i32 {
        %parallel_loop3A_85 = arith.constant 16 : i32
        %parallel_loop3A_86 = arith.muli %parallel_loop3A_84, %parallel_loop3A_85 : i32
        %parallel_loop3A_87 = arith.index_cast %parallel_loop3A_86 : i32 to index
        %parallel_loop3A_88 = tpu.vector_load %arg12[%parallel_loop3A_87] {strides = array<i32>} : memref<2000xf32, #tpu.memory_space<vmem>>, vector<16xf32>,
        %parallel_loop3A_89 = vector.bitcast %parallel_loop3A_88 : vector<16xf32> to vector<16xi32>
        %parallel_loop3A_90 = arith.constant 16 : i32
        %parallel_loop3A_91 = arith.muli %parallel_loop3A_84, %parallel_loop3A_90 : i32
        %parallel_loop3A_92 = arith.index_cast %parallel_loop3A_91 : i32 to index
        %parallel_loop3A_93 = tpu.vector_load %arg13[%parallel_loop3A_92] {strides = array<i32>} : memref<2000xf32, #tpu.memory_space<vmem>>, vector<16xf32>,
        %parallel_loop3A_94 = vector.bitcast %parallel_loop3A_93 : vector<16xf32> to vector<16xi32>
        %parallel_loop3A_95 = arith.constant 10 : i32
        %parallel_loop3A_96 = vector.broadcast %parallel_loop3A_95 : i32 to vector<16xi32>
        %parallel_loop3A_97 = arith.shli %parallel_loop3A_89, %parallel_loop3A_96 : vector<16xi32>
        %parallel_loop3A_98 = arith.ori %parallel_loop3A_97, %parallel_loop3A_94 : vector<16xi32>
        %parallel_loop3A_99 = arith.constant 16 : i32
        %parallel_loop3A_100 = arith.muli %parallel_loop3A_84, %parallel_loop3A_99 : i32
        %parallel_loop3A_101 = arith.addi %multiple_of3A_80, %parallel_loop3A_100 : i32
        %parallel_loop3A_102 = arith.index_cast %parallel_loop3A_101 : i32 to index
        %parallel_loop3A_103 = tpu.vector_load %arg6[%parallel_loop3A_102] {strides = array<i32>} : memref<50000xi32, #tpu.memory_space<vmem>>, vector<16xi32>,
        tpu.vector_store %arg6[%parallel_loop3A_102], %parallel_loop3A_98 {strides = array<i32>} : memref<50000xi32, #tpu.memory_space<vmem>>, vector<16xi32>,
      } {sc.loop_unroll_factor = 8 : i64, sc.parallel_access}
    }
    %scan3A_18 = arith.constant 12 : i32
    %multiple_of3A_19 = arith.constant 48000 : i32
    %multiple_of3A_20 = tpu.assume_multiple %multiple_of3A_19, 2000 : i32
    %dma_wait3A = tpu.memref_slice %arg2[%multiple_of3A_20] : memref<50000xf32, #tpu.memory_space<hbm>> -> memref<2000xf32, #tpu.memory_space<hbm>>
    %dma_wait3A_21 = tpu.memref_slice %arg2[%multiple_of3A_20] : memref<50000xf32, #tpu.memory_space<hbm>> -> memref<2000xf32, #tpu.memory_space<hbm>>
    tpu.wait_dma2 semaphore(%arg16 : memref<!tpu.dma_semaphore, #tpu.memory_space<semaphore_mem>>) src(%dma_wait3A_21 : memref<2000xf32, #tpu.memory_space<hbm>>) dst(%arg10 : memref<2000xf32, #tpu.memory_space<vmem>>)
    %dma_wait3A_22 = tpu.memref_slice %arg3[%multiple_of3A_20] : memref<50000xf32, #tpu.memory_space<hbm>> -> memref<2000xf32, #tpu.memory_space<hbm>>
    %dma_wait3A_23 = tpu.memref_slice %arg3[%multiple_of3A_20] : memref<50000xf32, #tpu.memory_space<hbm>> -> memref<2000xf32, #tpu.memory_space<hbm>>
    tpu.wait_dma2 semaphore(%arg17 : memref<!tpu.dma_semaphore, #tpu.memory_space<semaphore_mem>>) src(%dma_wait3A_23 : memref<2000xf32, #tpu.memory_space<hbm>>) dst(%arg11 : memref<2000xf32, #tpu.memory_space<vmem>>)
    %multiple_of3A_24 = arith.constant 48000 : i32
    %multiple_of3A_25 = tpu.assume_multiple %multiple_of3A_24, 2000 : i32
    %parallel_loop3A = arith.constant 0 : i32
    %parallel_loop3A_26 = arith.constant 125 : i32
    %parallel_loop3A_27 = arith.constant 1 : i32
    scf.for %parallel_loop3A_33 = %parallel_loop3A to %parallel_loop3A_26 step %parallel_loop3A_27  : i32 {
      %parallel_loop3A_34 = arith.constant 16 : i32
      %parallel_loop3A_35 = arith.muli %parallel_loop3A_33, %parallel_loop3A_34 : i32
      %parallel_loop3A_36 = arith.index_cast %parallel_loop3A_35 : i32 to index
      %parallel_loop3A_37 = tpu.vector_load %arg10[%parallel_loop3A_36] {strides = array<i32>} : memref<2000xf32, #tpu.memory_space<vmem>>, vector<16xf32>,
      %parallel_loop3A_38 = vector.bitcast %parallel_loop3A_37 : vector<16xf32> to vector<16xi32>
      %parallel_loop3A_39 = arith.constant 16 : i32
      %parallel_loop3A_40 = arith.muli %parallel_loop3A_33, %parallel_loop3A_39 : i32
      %parallel_loop3A_41 = arith.index_cast %parallel_loop3A_40 : i32 to index
      %parallel_loop3A_42 = tpu.vector_load %arg11[%parallel_loop3A_41] {strides = array<i32>} : memref<2000xf32, #tpu.memory_space<vmem>>, vector<16xf32>,
      %parallel_loop3A_43 = vector.bitcast %parallel_loop3A_42 : vector<16xf32> to vector<16xi32>
      %parallel_loop3A_44 = arith.constant 10 : i32
      %parallel_loop3A_45 = vector.broadcast %parallel_loop3A_44 : i32 to vector<16xi32>
      %parallel_loop3A_46 = arith.shli %parallel_loop3A_38, %parallel_loop3A_45 : vector<16xi32>
      %parallel_loop3A_47 = arith.ori %parallel_loop3A_46, %parallel_loop3A_43 : vector<16xi32>
      %parallel_loop3A_48 = arith.constant 16 : i32
      %parallel_loop3A_49 = arith.muli %parallel_loop3A_33, %parallel_loop3A_48 : i32
      %parallel_loop3A_50 = arith.addi %multiple_of3A_25, %parallel_loop3A_49 : i32
      %parallel_loop3A_51 = arith.index_cast %parallel_loop3A_50 : i32 to index
      %parallel_loop3A_52 = tpu.vector_load %arg6[%parallel_loop3A_51] {strides = array<i32>} : memref<50000xi32, #tpu.memory_space<vmem>>, vector<16xi32>,
      tpu.vector_store %arg6[%parallel_loop3A_51], %parallel_loop3A_47 {strides = array<i32>} : memref<50000xi32, #tpu.memory_space<vmem>>, vector<16xi32>,
    } {sc.loop_unroll_factor = 8 : i64, sc.parallel_access}
    %scan3A_28 = arith.constant 0 : i32
    %scan3A_29 = arith.constant 8 : i32
    %scan3A_30 = arith.addi %scan3A_28, %scan3A_29 : i32
    %scan3A_31 = arith.constant 1 : i32
    scf.for %scan3A_33 = %scan3A_28 to %scan3A_30 step %scan3A_31  : i32 {
      %add3A_34 = arith.addi %mul3A_2, %scan3A_33 : i32
      %mul3A_35 = arith.constant 50000 : i32
      %mul3A_36 = arith.muli %add3A_34, %mul3A_35 : i32
      %multiple_of3A_37 = tpu.assume_multiple %mul3A_36, 8 : i32
      %dma_wait3A_38 = arith.constant 0 : i32
      %dma_wait3A_39 = arith.constant 0 : i32
      %dma_wait3A_40 = tpu.memref_slice %arg4[%add3A_34, %dma_wait3A_38, %dma_wait3A_39] : memref<256x64x1024xf32, #tpu.memory_space<hbm>> -> memref<1x64x1024xf32, #tpu.memory_space<hbm>>
      %dma_wait3A_41 = tpu.memref_squeeze %dma_wait3A_40 : memref<1x64x1024xf32, #tpu.memory_space<hbm>> -> memref<64x1024xf32, #tpu.memory_space<hbm>>
      %dma_wait3A_42 = arith.constant 0 : i32
      %dma_wait3A_43 = arith.constant 0 : i32
      %dma_wait3A_44 = tpu.memref_slice %arg4[%add3A_34, %dma_wait3A_42, %dma_wait3A_43] : memref<256x64x1024xf32, #tpu.memory_space<hbm>> -> memref<1x64x1024xf32, #tpu.memory_space<hbm>>
      %dma_wait3A_45 = tpu.memref_squeeze %dma_wait3A_44 : memref<1x64x1024xf32, #tpu.memory_space<hbm>> -> memref<64x1024xf32, #tpu.memory_space<hbm>>
      tpu.wait_dma2 semaphore(%arg19 : memref<!tpu.dma_semaphore, #tpu.memory_space<semaphore_mem>>) src(%dma_wait3A_45 : memref<64x1024xf32, #tpu.memory_space<hbm>>) dst(%arg7 : memref<64x1024xf32, #tpu.memory_space<vmem>>)
      %scan3A_46 = arith.constant 0 : i32
      %scan3A_47 = arith.constant 6 : i32
      %scan3A_48 = arith.addi %scan3A_46, %scan3A_47 : i32
      %scan3A_49 = arith.constant 1 : i32
      scf.for %scan3A_73 = %scan3A_46 to %scan3A_48 step %scan3A_49  : i32 {
        %mul3A_74 = arith.constant 4 : i32
        %mul3A_75 = arith.muli %scan3A_73, %mul3A_74 : i32
        %mul3A_76 = arith.constant 2000 : i32
        %mul3A_77 = arith.muli %mul3A_75, %mul3A_76 : i32
        %multiple_of3A_78 = tpu.assume_multiple %mul3A_77, 2000 : i32
        %add3A_79 = arith.constant 0 : i32
        %add3A_80 = arith.addi %multiple_of3A_78, %add3A_79 : i32
        %add3A_81 = arith.addi %multiple_of3A_37, %add3A_80 : i32
        %gt3A = arith.constant 0 : i32
        %gt3A_82 = arith.cmpi sgt, %scan3A_73, %gt3A : i32
        %convert_element_type3A_83 = arith.extui %gt3A_82 : i1 to i32
        %cond3A_84 = arith.constant 0 : i32
        %cond3A_85 = arith.cmpi ne, %convert_element_type3A_83, %cond3A_84 : i32
        scf.if %cond3A_85 {
          %dma_wait3A_130 = tpu.memref_slice %arg5[%add3A_81] : memref<12800000xf32, #tpu.memory_space<hbm>> -> memref<2000xf32, #tpu.memory_space<hbm>>
          %dma_wait3A_131 = tpu.memref_slice %arg5[%add3A_81] : memref<12800000xf32, #tpu.memory_space<hbm>> -> memref<2000xf32, #tpu.memory_space<hbm>>
          tpu.wait_dma2 semaphore(%arg14 : memref<!tpu.dma_semaphore, #tpu.memory_space<semaphore_mem>>) src(%arg8 : memref<2000xf32, #tpu.memory_space<vmem>>) dst(%dma_wait3A_131 : memref<2000xf32, #tpu.memory_space<hbm>>)
        } else {
        }
        %parallel_loop3A_86 = arith.constant 0 : i32
        %parallel_loop3A_87 = arith.constant 125 : i32
        %parallel_loop3A_88 = arith.constant 1 : i32
        scf.for %parallel_loop3A_130 = %parallel_loop3A_86 to %parallel_loop3A_87 step %parallel_loop3A_88  : i32 {
          %parallel_loop3A_131 = arith.constant 16 : i32
          %parallel_loop3A_132 = arith.muli %parallel_loop3A_130, %parallel_loop3A_131 : i32
          %parallel_loop3A_133 = arith.addi %add3A_80, %parallel_loop3A_132 : i32
          %parallel_loop3A_134 = arith.index_cast %parallel_loop3A_133 : i32 to index
          %parallel_loop3A_135 = tpu.vector_load %arg6[%parallel_loop3A_134] {strides = array<i32>} : memref<50000xi32, #tpu.memory_space<vmem>>, vector<16xi32>,
          %parallel_loop3A_136 = arith.constant 10 : i32
          %parallel_loop3A_137 = vector.broadcast %parallel_loop3A_136 : i32 to vector<16xi32>
          %parallel_loop3A_138 = arith.shrsi %parallel_loop3A_135, %parallel_loop3A_137 : vector<16xi32>
          %parallel_loop3A_139 = arith.constant 1023 : i32
          %parallel_loop3A_140 = vector.broadcast %parallel_loop3A_139 : i32 to vector<16xi32>
          %parallel_loop3A_141 = arith.andi %parallel_loop3A_135, %parallel_loop3A_140 : vector<16xi32>
          %parallel_loop3A_142 = tpu.vector_load_idx %arg7[%parallel_loop3A_138, %parallel_loop3A_141] : memref<64x1024xf32, #tpu.memory_space<vmem>>[vector<16xi32>, vector<16xi32>], vector<16xf32>,
          %parallel_loop3A_143 = arith.constant 16 : i32
          %parallel_loop3A_144 = arith.muli %parallel_loop3A_130, %parallel_loop3A_143 : i32
          %parallel_loop3A_145 = arith.index_cast %parallel_loop3A_144 : i32 to index
          %parallel_loop3A_146 = tpu.vector_load %arg8[%parallel_loop3A_145] {strides = array<i32>} : memref<2000xf32, #tpu.memory_space<vmem>>, vector<16xf32>,
          tpu.vector_store %arg8[%parallel_loop3A_145], %parallel_loop3A_142 {strides = array<i32>} : memref<2000xf32, #tpu.memory_space<vmem>>, vector<16xf32>,
        } {sc.loop_unroll_factor = 8 : i64, sc.parallel_access}
        %dma_start3A_89 = tpu.memref_slice %arg5[%add3A_81] : memref<12800000xf32, #tpu.memory_space<hbm>> -> memref<2000xf32, #tpu.memory_space<hbm>>
        %dma_start3A_90 = tpu.memref_slice %arg5[%add3A_81] : memref<12800000xf32, #tpu.memory_space<hbm>> -> memref<2000xf32, #tpu.memory_space<hbm>>
        tpu.enqueue_dma source(%arg8 : memref<2000xf32, #tpu.memory_space<vmem>>) target(%dma_start3A_90 : memref<2000xf32, #tpu.memory_space<hbm>>) target_semaphore(%arg14 : memref<!tpu.dma_semaphore, #tpu.memory_space<semaphore_mem>>)
        %add3A_91 = arith.constant 2000 : i32
        %add3A_92 = arith.addi %multiple_of3A_78, %add3A_91 : i32
        %add3A_93 = arith.addi %multiple_of3A_37, %add3A_92 : i32
        %gt3A_94 = arith.constant 0 : i32
        %gt3A_95 = arith.cmpi sgt, %scan3A_73, %gt3A_94 : i32
        %convert_element_type3A_96 = arith.extui %gt3A_95 : i1 to i32
        %cond3A_97 = arith.constant 0 : i32
        %cond3A_98 = arith.cmpi ne, %convert_element_type3A_96, %cond3A_97 : i32
        scf.if %cond3A_98 {
          %dma_wait3A_130 = tpu.memref_slice %arg5[%add3A_93] : memref<12800000xf32, #tpu.memory_space<hbm>> -> memref<2000xf32, #tpu.memory_space<hbm>>
          %dma_wait3A_131 = tpu.memref_slice %arg5[%add3A_93] : memref<12800000xf32, #tpu.memory_space<hbm>> -> memref<2000xf32, #tpu.memory_space<hbm>>
          tpu.wait_dma2 semaphore(%arg15 : memref<!tpu.dma_semaphore, #tpu.memory_space<semaphore_mem>>) src(%arg9 : memref<2000xf32, #tpu.memory_space<vmem>>) dst(%dma_wait3A_131 : memref<2000xf32, #tpu.memory_space<hbm>>)
        } else {
        }
        %parallel_loop3A_99 = arith.constant 0 : i32
        %parallel_loop3A_100 = arith.constant 125 : i32
        %parallel_loop3A_101 = arith.constant 1 : i32
        scf.for %parallel_loop3A_130 = %parallel_loop3A_99 to %parallel_loop3A_100 step %parallel_loop3A_101  : i32 {
          %parallel_loop3A_131 = arith.constant 16 : i32
          %parallel_loop3A_132 = arith.muli %parallel_loop3A_130, %parallel_loop3A_131 : i32
          %parallel_loop3A_133 = arith.addi %add3A_92, %parallel_loop3A_132 : i32
          %parallel_loop3A_134 = arith.index_cast %parallel_loop3A_133 : i32 to index
          %parallel_loop3A_135 = tpu.vector_load %arg6[%parallel_loop3A_134] {strides = array<i32>} : memref<50000xi32, #tpu.memory_space<vmem>>, vector<16xi32>,
          %parallel_loop3A_136 = arith.constant 10 : i32
          %parallel_loop3A_137 = vector.broadcast %parallel_loop3A_136 : i32 to vector<16xi32>
          %parallel_loop3A_138 = arith.shrsi %parallel_loop3A_135, %parallel_loop3A_137 : vector<16xi32>
          %parallel_loop3A_139 = arith.constant 1023 : i32
          %parallel_loop3A_140 = vector.broadcast %parallel_loop3A_139 : i32 to vector<16xi32>
          %parallel_loop3A_141 = arith.andi %parallel_loop3A_135, %parallel_loop3A_140 : vector<16xi32>
          %parallel_loop3A_142 = tpu.vector_load_idx %arg7[%parallel_loop3A_138, %parallel_loop3A_141] : memref<64x1024xf32, #tpu.memory_space<vmem>>[vector<16xi32>, vector<16xi32>], vector<16xf32>,
          %parallel_loop3A_143 = arith.constant 16 : i32
          %parallel_loop3A_144 = arith.muli %parallel_loop3A_130, %parallel_loop3A_143 : i32
          %parallel_loop3A_145 = arith.index_cast %parallel_loop3A_144 : i32 to index
          %parallel_loop3A_146 = tpu.vector_load %arg9[%parallel_loop3A_145] {strides = array<i32>} : memref<2000xf32, #tpu.memory_space<vmem>>, vector<16xf32>,
          tpu.vector_store %arg9[%parallel_loop3A_145], %parallel_loop3A_142 {strides = array<i32>} : memref<2000xf32, #tpu.memory_space<vmem>>, vector<16xf32>,
        } {sc.loop_unroll_factor = 8 : i64, sc.parallel_access}
        %dma_start3A_102 = tpu.memref_slice %arg5[%add3A_93] : memref<12800000xf32, #tpu.memory_space<hbm>> -> memref<2000xf32, #tpu.memory_space<hbm>>
        %dma_start3A_103 = tpu.memref_slice %arg5[%add3A_93] : memref<12800000xf32, #tpu.memory_space<hbm>> -> memref<2000xf32, #tpu.memory_space<hbm>>
        tpu.enqueue_dma source(%arg9 : memref<2000xf32, #tpu.memory_space<vmem>>) target(%dma_start3A_103 : memref<2000xf32, #tpu.memory_space<hbm>>) target_semaphore(%arg15 : memref<!tpu.dma_semaphore, #tpu.memory_space<semaphore_mem>>)
        %add3A_104 = arith.constant 4000 : i32
        %add3A_105 = arith.addi %multiple_of3A_78, %add3A_104 : i32
        %add3A_106 = arith.addi %multiple_of3A_37, %add3A_105 : i32
        %gt3A_107 = arith.constant 0 : i32
        %gt3A_108 = arith.cmpi sgt, %scan3A_73, %gt3A_107 : i32
        %convert_element_type3A_109 = arith.extui %gt3A_108 : i1 to i32
        %cond3A_110 = arith.constant 0 : i32
        %cond3A_111 = arith.cmpi ne, %convert_element_type3A_109, %cond3A_110 : i32
        scf.if %cond3A_111 {
          %dma_wait3A_130 = tpu.memref_slice %arg5[%add3A_106] : memref<12800000xf32, #tpu.memory_space<hbm>> -> memref<2000xf32, #tpu.memory_space<hbm>>
          %dma_wait3A_131 = tpu.memref_slice %arg5[%add3A_106] : memref<12800000xf32, #tpu.memory_space<hbm>> -> memref<2000xf32, #tpu.memory_space<hbm>>
          tpu.wait_dma2 semaphore(%arg16 : memref<!tpu.dma_semaphore, #tpu.memory_space<semaphore_mem>>) src(%arg10 : memref<2000xf32, #tpu.memory_space<vmem>>) dst(%dma_wait3A_131 : memref<2000xf32, #tpu.memory_space<hbm>>)
        } else {
        }
        %parallel_loop3A_112 = arith.constant 0 : i32
        %parallel_loop3A_113 = arith.constant 125 : i32
        %parallel_loop3A_114 = arith.constant 1 : i32
        scf.for %parallel_loop3A_130 = %parallel_loop3A_112 to %parallel_loop3A_113 step %parallel_loop3A_114  : i32 {
          %parallel_loop3A_131 = arith.constant 16 : i32
          %parallel_loop3A_132 = arith.muli %parallel_loop3A_130, %parallel_loop3A_131 : i32
          %parallel_loop3A_133 = arith.addi %add3A_105, %parallel_loop3A_132 : i32
          %parallel_loop3A_134 = arith.index_cast %parallel_loop3A_133 : i32 to index
          %parallel_loop3A_135 = tpu.vector_load %arg6[%parallel_loop3A_134] {strides = array<i32>} : memref<50000xi32, #tpu.memory_space<vmem>>, vector<16xi32>,
          %parallel_loop3A_136 = arith.constant 10 : i32
          %parallel_loop3A_137 = vector.broadcast %parallel_loop3A_136 : i32 to vector<16xi32>
          %parallel_loop3A_138 = arith.shrsi %parallel_loop3A_135, %parallel_loop3A_137 : vector<16xi32>
          %parallel_loop3A_139 = arith.constant 1023 : i32
          %parallel_loop3A_140 = vector.broadcast %parallel_loop3A_139 : i32 to vector<16xi32>
          %parallel_loop3A_141 = arith.andi %parallel_loop3A_135, %parallel_loop3A_140 : vector<16xi32>
          %parallel_loop3A_142 = tpu.vector_load_idx %arg7[%parallel_loop3A_138, %parallel_loop3A_141] : memref<64x1024xf32, #tpu.memory_space<vmem>>[vector<16xi32>, vector<16xi32>], vector<16xf32>,
          %parallel_loop3A_143 = arith.constant 16 : i32
          %parallel_loop3A_144 = arith.muli %parallel_loop3A_130, %parallel_loop3A_143 : i32
          %parallel_loop3A_145 = arith.index_cast %parallel_loop3A_144 : i32 to index
          %parallel_loop3A_146 = tpu.vector_load %arg10[%parallel_loop3A_145] {strides = array<i32>} : memref<2000xf32, #tpu.memory_space<vmem>>, vector<16xf32>,
          tpu.vector_store %arg10[%parallel_loop3A_145], %parallel_loop3A_142 {strides = array<i32>} : memref<2000xf32, #tpu.memory_space<vmem>>, vector<16xf32>,
        } {sc.loop_unroll_factor = 8 : i64, sc.parallel_access}
        %dma_start3A_115 = tpu.memref_slice %arg5[%add3A_106] : memref<12800000xf32, #tpu.memory_space<hbm>> -> memref<2000xf32, #tpu.memory_space<hbm>>
        %dma_start3A_116 = tpu.memref_slice %arg5[%add3A_106] : memref<12800000xf32, #tpu.memory_space<hbm>> -> memref<2000xf32, #tpu.memory_space<hbm>>
        tpu.enqueue_dma source(%arg10 : memref<2000xf32, #tpu.memory_space<vmem>>) target(%dma_start3A_116 : memref<2000xf32, #tpu.memory_space<hbm>>) target_semaphore(%arg16 : memref<!tpu.dma_semaphore, #tpu.memory_space<semaphore_mem>>)
        %add3A_117 = arith.constant 6000 : i32
        %add3A_118 = arith.addi %multiple_of3A_78, %add3A_117 : i32
        %add3A_119 = arith.addi %multiple_of3A_37, %add3A_118 : i32
        %gt3A_120 = arith.constant 0 : i32
        %gt3A_121 = arith.cmpi sgt, %scan3A_73, %gt3A_120 : i32
        %convert_element_type3A_122 = arith.extui %gt3A_121 : i1 to i32
        %cond3A_123 = arith.constant 0 : i32
        %cond3A_124 = arith.cmpi ne, %convert_element_type3A_122, %cond3A_123 : i32
        scf.if %cond3A_124 {
          %dma_wait3A_130 = tpu.memref_slice %arg5[%add3A_119] : memref<12800000xf32, #tpu.memory_space<hbm>> -> memref<2000xf32, #tpu.memory_space<hbm>>
          %dma_wait3A_131 = tpu.memref_slice %arg5[%add3A_119] : memref<12800000xf32, #tpu.memory_space<hbm>> -> memref<2000xf32, #tpu.memory_space<hbm>>
          tpu.wait_dma2 semaphore(%arg17 : memref<!tpu.dma_semaphore, #tpu.memory_space<semaphore_mem>>) src(%arg11 : memref<2000xf32, #tpu.memory_space<vmem>>) dst(%dma_wait3A_131 : memref<2000xf32, #tpu.memory_space<hbm>>)
        } else {
        }
        %parallel_loop3A_125 = arith.constant 0 : i32
        %parallel_loop3A_126 = arith.constant 125 : i32
        %parallel_loop3A_127 = arith.constant 1 : i32
        scf.for %parallel_loop3A_130 = %parallel_loop3A_125 to %parallel_loop3A_126 step %parallel_loop3A_127  : i32 {
          %parallel_loop3A_131 = arith.constant 16 : i32
          %parallel_loop3A_132 = arith.muli %parallel_loop3A_130, %parallel_loop3A_131 : i32
          %parallel_loop3A_133 = arith.addi %add3A_118, %parallel_loop3A_132 : i32
          %parallel_loop3A_134 = arith.index_cast %parallel_loop3A_133 : i32 to index
          %parallel_loop3A_135 = tpu.vector_load %arg6[%parallel_loop3A_134] {strides = array<i32>} : memref<50000xi32, #tpu.memory_space<vmem>>, vector<16xi32>,
          %parallel_loop3A_136 = arith.constant 10 : i32
          %parallel_loop3A_137 = vector.broadcast %parallel_loop3A_136 : i32 to vector<16xi32>
          %parallel_loop3A_138 = arith.shrsi %parallel_loop3A_135, %parallel_loop3A_137 : vector<16xi32>
          %parallel_loop3A_139 = arith.constant 1023 : i32
          %parallel_loop3A_140 = vector.broadcast %parallel_loop3A_139 : i32 to vector<16xi32>
          %parallel_loop3A_141 = arith.andi %parallel_loop3A_135, %parallel_loop3A_140 : vector<16xi32>
          %parallel_loop3A_142 = tpu.vector_load_idx %arg7[%parallel_loop3A_138, %parallel_loop3A_141] : memref<64x1024xf32, #tpu.memory_space<vmem>>[vector<16xi32>, vector<16xi32>], vector<16xf32>,
          %parallel_loop3A_143 = arith.constant 16 : i32
          %parallel_loop3A_144 = arith.muli %parallel_loop3A_130, %parallel_loop3A_143 : i32
          %parallel_loop3A_145 = arith.index_cast %parallel_loop3A_144 : i32 to index
          %parallel_loop3A_146 = tpu.vector_load %arg11[%parallel_loop3A_145] {strides = array<i32>} : memref<2000xf32, #tpu.memory_space<vmem>>, vector<16xf32>,
          tpu.vector_store %arg11[%parallel_loop3A_145], %parallel_loop3A_142 {strides = array<i32>} : memref<2000xf32, #tpu.memory_space<vmem>>, vector<16xf32>,
        } {sc.loop_unroll_factor = 8 : i64, sc.parallel_access}
        %dma_start3A_128 = tpu.memref_slice %arg5[%add3A_119] : memref<12800000xf32, #tpu.memory_space<hbm>> -> memref<2000xf32, #tpu.memory_space<hbm>>
        %dma_start3A_129 = tpu.memref_slice %arg5[%add3A_119] : memref<12800000xf32, #tpu.memory_space<hbm>> -> memref<2000xf32, #tpu.memory_space<hbm>>
        tpu.enqueue_dma source(%arg11 : memref<2000xf32, #tpu.memory_space<vmem>>) target(%dma_start3A_129 : memref<2000xf32, #tpu.memory_space<hbm>>) target_semaphore(%arg17 : memref<!tpu.dma_semaphore, #tpu.memory_space<semaphore_mem>>)
      }
      %scan3A_50 = arith.constant 6 : i32
      %multiple_of3A_51 = arith.constant 48000 : i32
      %multiple_of3A_52 = tpu.assume_multiple %multiple_of3A_51, 2000 : i32
      %add3A_53 = arith.addi %multiple_of3A_37, %multiple_of3A_52 : i32
      %dma_wait3A_54 = tpu.memref_slice %arg5[%add3A_53] : memref<12800000xf32, #tpu.memory_space<hbm>> -> memref<2000xf32, #tpu.memory_space<hbm>>
      %dma_wait3A_55 = tpu.memref_slice %arg5[%add3A_53] : memref<12800000xf32, #tpu.memory_space<hbm>> -> memref<2000xf32, #tpu.memory_space<hbm>>
      tpu.wait_dma2 semaphore(%arg14 : memref<!tpu.dma_semaphore, #tpu.memory_space<semaphore_mem>>) src(%arg8 : memref<2000xf32, #tpu.memory_space<vmem>>) dst(%dma_wait3A_55 : memref<2000xf32, #tpu.memory_space<hbm>>)
      %parallel_loop3A_56 = arith.constant 0 : i32
      %parallel_loop3A_57 = arith.constant 125 : i32
      %parallel_loop3A_58 = arith.constant 1 : i32
      scf.for %parallel_loop3A_73 = %parallel_loop3A_56 to %parallel_loop3A_57 step %parallel_loop3A_58  : i32 {
        %parallel_loop3A_74 = arith.constant 16 : i32
        %parallel_loop3A_75 = arith.muli %parallel_loop3A_73, %parallel_loop3A_74 : i32
        %parallel_loop3A_76 = arith.addi %multiple_of3A_52, %parallel_loop3A_75 : i32
        %parallel_loop3A_77 = arith.index_cast %parallel_loop3A_76 : i32 to index
        %parallel_loop3A_78 = tpu.vector_load %arg6[%parallel_loop3A_77] {strides = array<i32>} : memref<50000xi32, #tpu.memory_space<vmem>>, vector<16xi32>,
        %parallel_loop3A_79 = arith.constant 10 : i32
        %parallel_loop3A_80 = vector.broadcast %parallel_loop3A_79 : i32 to vector<16xi32>
        %parallel_loop3A_81 = arith.shrsi %parallel_loop3A_78, %parallel_loop3A_80 : vector<16xi32>
        %parallel_loop3A_82 = arith.constant 1023 : i32
        %parallel_loop3A_83 = vector.broadcast %parallel_loop3A_82 : i32 to vector<16xi32>
        %parallel_loop3A_84 = arith.andi %parallel_loop3A_78, %parallel_loop3A_83 : vector<16xi32>
        %parallel_loop3A_85 = tpu.vector_load_idx %arg7[%parallel_loop3A_81, %parallel_loop3A_84] : memref<64x1024xf32, #tpu.memory_space<vmem>>[vector<16xi32>, vector<16xi32>], vector<16xf32>,
        %parallel_loop3A_86 = arith.constant 16 : i32
        %parallel_loop3A_87 = arith.muli %parallel_loop3A_73, %parallel_loop3A_86 : i32
        %parallel_loop3A_88 = arith.index_cast %parallel_loop3A_87 : i32 to index
        %parallel_loop3A_89 = tpu.vector_load %arg8[%parallel_loop3A_88] {strides = array<i32>} : memref<2000xf32, #tpu.memory_space<vmem>>, vector<16xf32>,
        tpu.vector_store %arg8[%parallel_loop3A_88], %parallel_loop3A_85 {strides = array<i32>} : memref<2000xf32, #tpu.memory_space<vmem>>, vector<16xf32>,
      } {sc.loop_unroll_factor = 8 : i64, sc.parallel_access}
      %dma_start3A_59 = tpu.memref_slice %arg5[%add3A_53] : memref<12800000xf32, #tpu.memory_space<hbm>> -> memref<2000xf32, #tpu.memory_space<hbm>>
      %dma_start3A_60 = tpu.memref_slice %arg5[%add3A_53] : memref<12800000xf32, #tpu.memory_space<hbm>> -> memref<2000xf32, #tpu.memory_space<hbm>>
      tpu.enqueue_dma source(%arg8 : memref<2000xf32, #tpu.memory_space<vmem>>) target(%dma_start3A_60 : memref<2000xf32, #tpu.memory_space<hbm>>) target_semaphore(%arg14 : memref<!tpu.dma_semaphore, #tpu.memory_space<semaphore_mem>>)
      %add3A_61 = arith.constant 1 : i32
      %add3A_62 = arith.addi %scan3A_33, %add3A_61 : i32
      %lt3A = arith.constant 8 : i32
      %lt3A_63 = arith.cmpi slt, %add3A_62, %lt3A : i32
      %convert_element_type3A = arith.extui %lt3A_63 : i1 to i32
      %cond3A = arith.constant 0 : i32
      %cond3A_64 = arith.cmpi ne, %convert_element_type3A, %cond3A : i32
      scf.if %cond3A_64 {
        %add3A_73 = arith.constant 1 : i32
        %add3A_74 = arith.addi %add3A_34, %add3A_73 : i32
        %dma_start3A_75 = arith.constant 0 : i32
        %dma_start3A_76 = arith.constant 0 : i32
        %dma_start3A_77 = tpu.memref_slice %arg4[%add3A_74, %dma_start3A_75, %dma_start3A_76] : memref<256x64x1024xf32, #tpu.memory_space<hbm>> -> memref<1x64x1024xf32, #tpu.memory_space<hbm>>
        %dma_start3A_78 = tpu.memref_squeeze %dma_start3A_77 : memref<1x64x1024xf32, #tpu.memory_space<hbm>> -> memref<64x1024xf32, #tpu.memory_space<hbm>>
        %dma_start3A_79 = arith.constant 0 : i32
        %dma_start3A_80 = arith.constant 0 : i32
        %dma_start3A_81 = tpu.memref_slice %arg4[%add3A_74, %dma_start3A_79, %dma_start3A_80] : memref<256x64x1024xf32, #tpu.memory_space<hbm>> -> memref<1x64x1024xf32, #tpu.memory_space<hbm>>
        %dma_start3A_82 = tpu.memref_squeeze %dma_start3A_81 : memref<1x64x1024xf32, #tpu.memory_space<hbm>> -> memref<64x1024xf32, #tpu.memory_space<hbm>>
        tpu.enqueue_dma source(%dma_start3A_82 : memref<64x1024xf32, #tpu.memory_space<hbm>>) target(%arg7 : memref<64x1024xf32, #tpu.memory_space<vmem>>) target_semaphore(%arg19 : memref<!tpu.dma_semaphore, #tpu.memory_space<semaphore_mem>>)
      } else {
      }
      %dma_wait3A_65 = tpu.memref_slice %arg5[%add3A_53] : memref<12800000xf32, #tpu.memory_space<hbm>> -> memref<2000xf32, #tpu.memory_space<hbm>>
      %dma_wait3A_66 = tpu.memref_slice %arg5[%add3A_53] : memref<12800000xf32, #tpu.memory_space<hbm>> -> memref<2000xf32, #tpu.memory_space<hbm>>
      tpu.wait_dma2 semaphore(%arg15 : memref<!tpu.dma_semaphore, #tpu.memory_space<semaphore_mem>>) src(%arg9 : memref<2000xf32, #tpu.memory_space<vmem>>) dst(%dma_wait3A_66 : memref<2000xf32, #tpu.memory_space<hbm>>)
      %dma_wait3A_67 = tpu.memref_slice %arg5[%add3A_53] : memref<12800000xf32, #tpu.memory_space<hbm>> -> memref<2000xf32, #tpu.memory_space<hbm>>
      %dma_wait3A_68 = tpu.memref_slice %arg5[%add3A_53] : memref<12800000xf32, #tpu.memory_space<hbm>> -> memref<2000xf32, #tpu.memory_space<hbm>>
      tpu.wait_dma2 semaphore(%arg16 : memref<!tpu.dma_semaphore, #tpu.memory_space<semaphore_mem>>) src(%arg10 : memref<2000xf32, #tpu.memory_space<vmem>>) dst(%dma_wait3A_68 : memref<2000xf32, #tpu.memory_space<hbm>>)
      %dma_wait3A_69 = tpu.memref_slice %arg5[%add3A_53] : memref<12800000xf32, #tpu.memory_space<hbm>> -> memref<2000xf32, #tpu.memory_space<hbm>>
      %dma_wait3A_70 = tpu.memref_slice %arg5[%add3A_53] : memref<12800000xf32, #tpu.memory_space<hbm>> -> memref<2000xf32, #tpu.memory_space<hbm>>
      tpu.wait_dma2 semaphore(%arg17 : memref<!tpu.dma_semaphore, #tpu.memory_space<semaphore_mem>>) src(%arg11 : memref<2000xf32, #tpu.memory_space<vmem>>) dst(%dma_wait3A_70 : memref<2000xf32, #tpu.memory_space<hbm>>)
      %dma_wait3A_71 = tpu.memref_slice %arg5[%add3A_53] : memref<12800000xf32, #tpu.memory_space<hbm>> -> memref<2000xf32, #tpu.memory_space<hbm>>
      %dma_wait3A_72 = tpu.memref_slice %arg5[%add3A_53] : memref<12800000xf32, #tpu.memory_space<hbm>> -> memref<2000xf32, #tpu.memory_space<hbm>>
      tpu.wait_dma2 semaphore(%arg14 : memref<!tpu.dma_semaphore, #tpu.memory_space<semaphore_mem>>) src(%arg8 : memref<2000xf32, #tpu.memory_space<vmem>>) dst(%dma_wait3A_72 : memref<2000xf32, #tpu.memory_space<hbm>>)
    }
    %scan3A_32 = arith.constant 8 : i32
    return
  }
}

</mosaic_0001>

<sc_bundles>
// kernel: kernel.3.cloned.1.call-start
scs
__scs_entry_jumppad:
0x0: {  	(pc) =	sbr.rel $0x88, $3  }
0x1: {  	(tag) =	ssettag $0x0;
	lr =	simm.s32 $0x1  }
0x2: {  	[smem:$0x3F9E] =	sst lr;
	_ =	strace $0xD0000000  }
0x3: {  	_ = 	snop  }
0x4: {  	_ = 	snop  }
0x5: {  	_ = 	snop  }
0x6: {  	_ = 	snop  }
0x7: {  	_ = 	snop  }
__scs_overlays_trampoline_lowered:
0x8: {  	[smem:$0x3FAD] =	sst s0  }
0x9: {  	[smem:$0x3FAE] =	sst s1  }
0xa: {  	[smem:$0x3FAF] =	sst s2  }
0xb: {  	[smem:$0x3FB0] =	sst s3  }
0xc: {  	[smem:$0x3FB1] =	sst s4  }
0xd: {  	[smem:$0x3FB2] =	sst s5  }
0xe: {  	[smem:$0x3FB3] =	sst s6  }
0xf: {  	[smem:$0x3FB4] =	sst s7  }
0x10: {  	[smem:$0x3FB5] =	sst s8  }
0x11: {  	[smem:$0x3FB6] =	sst s9;
	s0 =	simm.s32 @!p0 $0x0  }
0x12: {  	s1 =	sld [smem:$0x3F9C];
	s0 =	simm.s32 @p0 $0x1  }
0x13: {  	[smem:$0x3FB7] =	sst s0;
	s0 =	simm.s32 @!p1 $0x0  }
0x14: {  	s2 =	sld [smem:$0x3F9B];
	s0 =	simm.s32 @p1 $0x1  }
0x15: {  	[smem:$0x3FB8] =	sst s0;
	s0 =	simm.s32 @!p2 $0x0  }
0x16: {  	s3 =	sld [smem:$0x3FDB];
	s0 =	simm.s32 @p2 $0x1  }
0x17: {  	s4 =	simm.s32 $0x1BF5;
	[smem:$0x3FBA] =	sst s0  }
0x18: {  	s0 =	sld [smem:$0x3F9D];
	_ =	swait.ge [sflag:s4], $0x0  }
0x19: {  	s7 =	sld [smem:$0x3F9E]  }
0x1a: {  	s8 =	sadd.s32 $0xFFFFE003, lr  }
0x1b: {  	s9 =	sadd.s32 $0xFFFFFEF7, lr;
	s5 =	simm.s32 $0xFFFFFFFF;
	p2 =	slt.u32 s8, $0xFFFFF086  }
0x1c: {  	p1 =	slt.u32 s9, $0xF7A;
	s5 =	simm.s32 @!p2 $0x0  }
0x1d: {  	s5 =	simm.s32 @p1 $0x1;
	p0 =	seq.s32 s7, s2  }
0x1e: {  	s7 =	smul.u32 @!p0 $0xF7A, s2;
	p2 =	seq.s32 @!p0 s5, $0x0  }
0x1f: {  	s9 =	smul.u32 $0xF7A, s1;
	s8 =	simm.s32 @!p0 $0x1BF5;
	p2 =	por !p2, p0  }
0x20: {  	[sflag:s8] =	ssyncset.s32 @!p0 $0xFFFFF086;
	s6 =	sadd.s32 @!p0 s3, s7;
	s7 =	simm.s32 @!p0 $0x108  }
0x21: {  	s3 =	sadd.s32 s3, s9;
	s6 =	sadd.s32 @!p0 $0x88, s6;
	s7 =	simm.s32 @p2 $0x1082  }
0x22: {  	[simem:s7], [sflag:s8] =	dma.local @!p0 [hbm:s6], $0xF7A  }
0x23: {  	s9 =	sor.u32 $0xD0000000, s2;
	s6 =	simm.s32 $0x108;
	_ =	swait.ge @!p0 [sflag:s8], $0x0  }
0x24: {  	s3 =	sadd.s32 $0x88, s3;
	s6 =	simm.s32 @!p1 $0x1082;
	[sflag:s4] =	ssyncset.s32 $0xFFFFF086  }
0x25: {  	[simem:s6], [sflag:s4] =	dma.local [hbm:s3], $0xF7A  }
0x26: {  	[smem:$0x3F9E] =	sst s1;
	(tag) =	ssettag s2;
	_ =	strace s9  }
0x27: {  	s1 =	sld [smem:$0x3FAE]  }
0x28: {  	s2 =	sld [smem:$0x3FAF]  }
0x29: {  	s4 =	sld [smem:$0x3FB1]  }
0x2a: {  	p0 =	seq.s32 s5, $0x0;
	s5 =	sld [smem:$0x3FB2]  }
0x2b: {  	s6 =	sld [smem:$0x3FB3]  }
0x2c: {  	s7 =	sld [smem:$0x3FB4]  }
0x2d: {  	s3 =	simm.s32 $0x108;
	s8 =	sld [smem:$0x3FB5]  }
0x2e: {  	s3 =	simm.s32 @!p0 $0x1082;
	s9 =	sld [smem:$0x3FB6]  }
0x2f: {  	lr =	sadd.s32 s0, s3;
	s0 =	sld [smem:$0x3FAD]  }
0x30: {  	s3 =	sld [smem:$0x3FB0]  }
0x31: {  	[smem:$0x3FB9] =	sst s10  }
0x32: {  	s10 =	sld [smem:$0x3FB7];
	_ =	sdelay $0x3  }
0x33: {  	p0 =	seq.s32 s10, $0x1;
	s10 =	sld [smem:$0x3FB9];
	_ =	sdelay $0x3  }
0x34: {  	[smem:$0x3FB9] =	sst s10  }
0x35: {  	s10 =	sld [smem:$0x3FB8];
	_ =	sdelay $0x3  }
0x36: {  	p1 =	seq.s32 s10, $0x1;
	s10 =	sld [smem:$0x3FB9];
	_ =	sdelay $0x3  }
0x37: {  	[smem:$0x3FB9] =	sst s10  }
0x38: {  	s10 =	sld [smem:$0x3FBA]  }
0x39: {  	_ = 	snop;
	(pc) =	sbr.ind lr, $3  }
0x3a: {  	_ = 	snop  }
0x3b: {  	_ = 	snop  }
0x3c: {  	p2 =	seq.s32 s10, $0x1;
	s10 =	sld [smem:$0x3FB9]  }
0x3d: {  	_ =	shalt  }
0x3e: {  	_ =	shalt  }
0x3f: {  	_ =	shalt  }
0x40: {  	_ =	shalt  }
0x41: {  	_ =	shalt  }
0x42: {  	_ =	shalt  }
0x43: {  	_ =	shalt  }
0x44: {  	_ =	shalt  }
0x45: {  	_ =	shalt  }
0x46: {  	_ =	shalt  }
0x47: {  	_ =	shalt  }
0x48: {  	_ =	shalt  }
0x49: {  	_ =	shalt  }
0x4a: {  	_ =	shalt  }
0x4b: {  	_ =	shalt  }
0x4c: {  	_ =	shalt  }
0x4d: {  	_ =	shalt  }
0x4e: {  	_ =	shalt  }
0x4f: {  	_ =	shalt  }
0x50: {  	_ =	shalt  }
0x51: {  	_ =	shalt  }
0x52: {  	_ =	shalt  }
0x53: {  	_ =	shalt  }
0x54: {  	_ =	shalt  }
0x55: {  	_ =	shalt  }
0x56: {  	_ =	shalt  }
0x57: {  	_ =	shalt  }
0x58: {  	_ =	shalt  }
0x59: {  	_ =	shalt  }
0x5a: {  	_ =	shalt  }
0x5b: {  	_ =	shalt  }
0x5c: {  	_ =	shalt  }
0x5d: {  	_ =	shalt  }
0x5e: {  	_ =	shalt  }
0x5f: {  	_ =	shalt  }
0x60: {  	_ =	shalt  }
0x61: {  	_ =	shalt  }
0x62: {  	_ =	shalt  }
0x63: {  	_ =	shalt  }
0x64: {  	_ =	shalt  }
0x65: {  	_ =	shalt  }
0x66: {  	_ =	shalt  }
0x67: {  	_ =	shalt  }
0x68: {  	_ =	shalt  }
0x69: {  	_ =	shalt  }
0x6a: {  	_ =	shalt  }
0x6b: {  	_ =	shalt  }
0x6c: {  	_ =	shalt  }
0x6d: {  	_ =	shalt  }
0x6e: {  	_ =	shalt  }
0x6f: {  	_ =	shalt  }
0x70: {  	_ =	shalt  }
0x71: {  	_ =	shalt  }
0x72: {  	_ =	shalt  }
0x73: {  	_ =	shalt  }
0x74: {  	_ =	shalt  }
0x75: {  	_ =	shalt  }
0x76: {  	_ =	shalt  }
0x77: {  	_ =	shalt  }
0x78: {  	_ =	shalt  }
0x79: {  	_ =	shalt  }
0x7a: {  	_ =	shalt  }
0x7b: {  	_ =	shalt  }
0x7c: {  	_ =	shalt  }
0x7d: {  	_ =	shalt  }
0x7e: {  	_ =	shalt  }
0x7f: {  	_ =	shalt  }
0x80: {  	_ =	shalt  }
0x81: {  	_ =	shalt  }
0x82: {  	_ =	shalt  }
0x83: {  	_ =	shalt  }
0x84: {  	_ =	shalt  }
0x85: {  	_ =	shalt  }
0x86: {  	_ =	shalt  }
0x87: {  	_ =	shalt  }
.Lfunc_end0:
.L_simem_size_0:
called_computation.1_lowered:
.L_overlay_start_0:
0x88: {  	s2 =	sld [smem:$0x3FD9]  }
0x89: {  	s3 =	sld [smem:$0x3FFE];
	_ =	sdelay $0x1  }
0x8a: {  	s1 =	srdreg.scid  }
0x8b: {  	s0 =	sand.u32 $0x1, s1  }
0x8c: {  	s17 =	sshll.u32 s0, $0xA;
	s2 =	sadd.s32 s3, s2  }
0x8d: {  	s2 =	sadd.s32 s2, s17  }
0x8e: {  	[smem:$0x3FC5] =	sst s2  }
0x8f: {  	_ = 	snop  }
0x90: {  	s2 =	sld [smem:$0x3FC9]  }
0x91: {  	s18 =	sld [smem:$0x3FD0];
	(tm) =	ssettm $0x1  }
0x92: {  	s4 =	sld [smem:$0x3FFB];
	_ =	sdelay $0x3  }
0x93: {  	_ =	strace s4  }
0x94: {  	s4 =	sld [smem:$0x3FFC];
	_ =	sdelay $0x3  }
0x95: {  	_ =	strace s4  }
0x96: {  	s4 =	sld [smem:$0x3FFD];
	_ =	sdelay $0x3  }
0x97: {  	_ =	strace s4  }
0x98: {  	_ =	strace $0x8FFFFFFF  }
0x99: {  	s19 =	sld [smem:$0x3FDB];
	_ =	sdelay $0x1  }
0x9a: {  	s5 =	simm.s32 $_scs_section_size  }
0x9b: {  	s6 =	simm.s32 $_size__tile_overlayer_lowered;
	s7 =	simm.s32 $_tile_overlayer_lowered  }
0x9c: {  	s22 =	simm.s32 $0x1BFF;
	s21 =	sshll.u32 s7, $0x1;
	s4 =	sadd.s32 s5, s19  }
0x9d: {  	s8 =	simm.s32 $0x0;
	s20 =	sshll.u32 s6, $0x1;
	s6 =	sadd.s32 s21, s4  }
0x9e: {  	[timem:s8], [sflag:s22] =	dma.local [hbm:s6], s20  }
0x9f: {  	_ =	swait.ge [sflag:s22], s20  }
0xa0: {  	s5 =	ssub.s32 $0x0, s20;
	[sflag:s22] =	ssyncset.done $0x0  }
0xa1: {  	[sflag:s22] =	ssyncadd.s32 s5;
	_ =	sdelay $0x1  }
0xa2: {  	s23 =	simm.s32 $0x1B8B  }
0xa3: {  	_ =	swait.ge [sflag:s23], $0x1  }
0xa4: {  	[sflag:s23] =	ssyncset.done $0x0  }
0xa5: {  	s25 =	simm.s32 $0x1B8E;
	s24 =	sld [smem:$0x3FFE];
	[sflag:s23] =	ssyncadd.s32 $0xFFFFFFFF  }
0xa6: {  	s26 =	simm.s32 $execute0_lowered;
	[smem:$0x3FD2] =	sst s25  }
0xa7: {  	s6 =	sshll.u32 s26, $0x1;
	_ =	strace $0x80000046;
	[dreg:$0x1] =	wrdreg $0xFFFFFFFF  }
0xa8: {  	s28 =	simm.s32 $_size_execute0_lowered;
	s4 =	sadd.s32 s4, s6;
	[dreg:$0x0] =	wrdreg $0x0  }
0xa9: {  	s6 =	sshll.u32 s28, $0x1;
	[dreg:$0x2] =	wrdreg s4  }
0xaa: {  	[dreg:$0x3] =	wrdreg s6  }
0xab: {  	[dreg:$0x4] =	wrdreg $0xC0  }
0xac: {  	_ =	task [dreg:s8], $0x5FFFF  }
0xad: {  	[dreg:$0x1] =	wrdreg $0xFFFFFFFF  }
0xae: {  	[dreg:$0x0] =	wrdreg $0x60  }
0xaf: {  	[dreg:$0x2] =	wrdreg s24  }
0xb0: {  	[dreg:$0x3] =	wrdreg s2  }
0xb1: {  	[dreg:$0x4] =	wrdreg s18  }
0xb2: {  	[dreg:$0x5] =	wrdreg $0x9  }
0xb3: {  	_ =	task.clear_ibuf [dreg:s8], $0x6FFFF;
	_ =	strace $0x90000046  }
0xb4: {  	s29 =	simm.s32 $0x9;
	_ =	strace $0x80000048  }
0xb5: {  	_ =	swait.ge [sflag:s29], $0x1  }
0xb6: {  	[sflag:s29] =	ssyncadd.s32 $0xFFFFFFFF  }
0xb7: {  	_ =	strace $0x90000048  }
0xb8: {  	_ =	sfence  }
0xb9: {  	s30 =	sld [smem:$0x0];
	_ =	sdelay $0x2  }
0xba: {  	s31 =	sshll.u32 s1, $0xD;
	s1 =	sshrl.u32 s1, $0x2  }
0xbb: {  	s3 =	sand.u32 $0x4000, s31;
	s1 =	sadd.s32 s1, s30  }
0xbc: {  	s0 =	sor.u32 s3, s0;
	s1 =	sshll.u32 s1, $0x11  }
0xbd: {  	s0 =	sor.u32 s1, s0  }
0xbe: {  	s0 =	sadd.s32 $0x8F2B, s0  }
0xbf: {  	[sflag:s0] =	ssyncadd.remote.s32 $0x1  }
0xc0: {  	_ =	sfence.sel $0xFFFF  }
0xc1: {  	[dreg:$0x0] =	wrdreg $0xFFFFFFFF;
	(pc) =	sbr.abs _section_cstart, $3  }
0xc2: {  	[dreg:$0x1] =	wrdreg $0xFFFFFFFF  }
0xc3: {  	_ =	task.clear_ibuf [dreg:s8], $0x2FFFF;
	_ =	strace $0x9FFFFFFF  }
0xc4: {  	(tm) =	ssettm $0x7FFFFFFF  }
0xc5: {  	_ =	shalt  }
tec
execute0_lowered:
.L_overlay_start_1:
0x0: {  	(tag) =	ssettag $0x1  }
0x1: {  	s0 =	rddreg [dreg:$0x0]  }
0x2: {  	s2 =	rddreg [dreg:$0x1]  }
0x3: {  	s1 =	rddreg [dreg:$0x2]  }
0x4: {  	s3 =	simm.s32 $0x0;
	s4 =	srdreg.scid;
	s5 =	stileid.u32  }
0x5: {  	s10 =	simm.s32 $0xC380;
	s11 =	simm.s32 $0x1D380;
	s12 =	simm.s32 $0x1DB80  }
0x6: {  	s25 =	simm.s32 $0x3;
	s26 =	simm.s32 $0x4;
	s28 =	simm.s32 $0x1E380  }
0x7: {  	[smem:$0x7FF] =	sst s3;
	s4 =	sand.u32 $0x1, s4;
	s5 =	sshll.u32 s5, $0x4  }
0x8: {  	s21 =	sadd.s32 $0x800, s0;
	s24 =	sadd.s32 $0x2200, s0;
	s6 =	sshll.u32 s4, $0x3  }
0x9: {  	_ =	strace $0x80000047;
	[dreg:$0x4] =	wrdreg s21;
	s5 =	sor.u32 s6, s5  }
0xa: {  	s4 =	ssub.s32 $0x2, s4;
	[dreg:$0x5] =	wrdreg s5;
	s5 =	sshll.u32 s5, $0xD  }
0xb: {  	[dreg:$0x6] =	wrdreg s24;
	s30 =	sshrl.u32 s4, $0x1;
	s31 =	sadd.s32 s2, s5  }
0xc: {  	s0 =	ssub.s32 s4, s30;
	s2 =	sadd.s32 $0x2000, s2;
	[dreg:$0x7] =	wrdreg s31  }
0xd: {  	s29 =	simm.s32 $0x1EB80;
	s0 =	smax.u32 s0, $0x1;
	[dreg:$0x8] =	wrdreg s2  }
0xe: {  	s20 =	simm.s32 $0x1C380;
	[dreg:$0x9] =	wrdreg s0;
	s2 =	simm.s32 $0x0  }
.LBB2_1:
0xf: {  	[dreg:$0xa] =	wrdreg s2  }
0x10: {  	s0 =	rddreg [dreg:$0x7]  }
0x11: {  	s2 =	simm.s32 $0x780;
	s4 =	simm.s32 $0x7D0;
	s5 =	simm.s32 $0x840  }
0x12: {  	[tilespmem:s10], [sflag:$0x6] =	stream.linear.gather [hbm4b:s0+s3], $0x10000, $0x38;
	[tilespmem:$0x1F380] =	vst v63  }
0x13: {  	s6 =	simm.s32 $0xF50;
	s7 =	simm.s32 $0x4;
	s8 =	simm.s32 $0x0  }
0x14: {  	[tilespmem:s11], [sflag:$0x3] =	stream.linear.gather [hbm4b:s21+s3], $0x7D0, $0x38;
	[tilespmem:$0x1F380] =	vst v63  }
0x15: {  	s9 =	simm.s32 $0x0;
	s15 =	simm.s32 $0x0;
	s0 =	simm.s32 $0x40  }
0x16: {  	[tilespmem:s12], [sflag:$0x4] =	stream.linear.gather [hbm4b:s24+s3], $0x7D0, $0x38;
	[tilespmem:$0x1F380] =	vst v63  }
.LBB2_2:
0x17: {  	_ =	swait.ge [sflag:s25], $0x7D0  }
0x18: {  	s13 =	smul.u32 $0xFA0, s15;
	[sflag:s25] =	ssyncset.done $0x0  }
0x19: {  	[sflag:s25] =	ssyncadd.s32 $0xFFFFF830  }
0x1a: {  	s13 =	sshrl.u32 s13, $0x3;
	_ =	swait.ge [sflag:s26], $0x7D0  }
0x1b: {  	s14 =	sadd.s32 $0xFA, s13;
	[sflag:s26] =	ssyncset.done $0x0  }
0x1c: {  	s16 =	sadd.s32 s21, s14;
	[sflag:s26] =	ssyncadd.s32 $0xFFFFF830  }
0x1d: {  	[tilespmem:s28], [sflag:$0x5] =	stream.linear.gather [hbm4b:s16+s3], $0x7D0, $0x38;
	[tilespmem:$0x1F380] =	vst v63  }
0x1e: {  	s23 =	simm.s32 $0x1D3C0;
	s14 =	sadd.s32 s24, s14  }
0x1f: {  	[tilespmem:s29], [sflag:$0x5] =	stream.linear.gather [hbm4b:s14+s3], $0x7D0, $0x38;
	[tilespmem:$0x1F380] =	vst v63  }
0x20: {  	s14 =	simm.s32 $0x1DBC0;
	v0 =	vld [tilespmem:s23+$0x30]  }
0x21: {  	v1 =	vld [tilespmem:s14+$0x30]  }
0x22: {  	v2 =	vld [tilespmem:s23+$0xFFFFFFD0]  }
0x23: {  	v3 =	vld [tilespmem:s23+$0xFFFFFFE0]  }
0x24: {  	v5 =	vld [tilespmem:s23+$0xFFFFFFF0]  }
0x25: {  	v6 =	vld [tilespmem:s23+$0x0]  }
0x26: {  	v9 =	vld [tilespmem:s23+$0x10]  }
0x27: {  	v10 =	vld [tilespmem:s23+$0x20]  }
0x28: {  	v7 =	vld [tilespmem:s23+$0xFFFFFFC0]  }
0x29: {  	v8 =	vld [tilespmem:s14+$0xFFFFFFC0]  }
0x2a: {  	s30 =	sshll.u32 s4, $0x2;
	s17 =	sand.u32 $0x7, s7;
	v11 =	vld [tilespmem:s14+$0xFFFFFFD0]  }
0x2b: {  	s18 =	sshll.u32 s9, $0x2;
	s19 =	sand.u32 $0x3, s8;
	s17 =	sshll.u32 s17, $0x6;
	v4 =	vshll.u32 v0, $0xA;
	v0 =	vld [tilespmem:s14+$0xFFFFFFE0]  }
0x2c: {  	s18 =	sand.u32 $0xFFFFFE00, s18;
	s19 =	sshll.u32 s19, $0x7;
	s16 =	sand.u32 $0xFFFFFE00, s30;
	v12 =	vor.u32 v1, v4;
	v1 =	vld [tilespmem:s14+$0xFFFFFFF0]  }
0x2d: {  	s31 =	sor.u32 s19, s18;
	s16 =	sor.u32 s17, s16;
	v13 =	vshll.u32 v2, $0xA;
	v4 =	vshll.u32 v3, $0xA;
	v3 =	vshll.u32 v7, $0xA;
	v7 =	vld [tilespmem:s14+$0x0]  }
0x2e: {  	s22 =	simm.s32 $0x1D440;
	s17 =	sshrl.u32 s31, $0x2;
	s16 =	sshrl.u32 s16, $0x2;
	v5 =	vshll.u32 v5, $0xA;
	v2 =	vshll.u32 v6, $0xA;
	[tilespmem:s0+$0x30] =	vst v12;
	v63 =	vor.u32 v8, v3;
	v8 =	vld [tilespmem:s14+$0x10]  }
0x2f: {  	s19 =	simm.s32 $0x0;
	s18 =	smov.u32 s0;
	s16 =	sadd.s32 $0x10, s16;
	v6 =	vshll.u32 v9, $0xA;
	v9 =	vld [tilespmem:s14+$0x20];
	v3 =	vshll.u32 v10, $0xA;
	v10 =	vor.u32 v11, v13;
	[tilespmem:s17+$0x0] =	vst v63  }
.LBB2_3:
0x30: {  	v11 =	vld [tilespmem:s22+$0x30];
	s19 =	sadd.s32 $0x8, s19;
	[tilespmem:s18+$0xFFFFFFD0] =	vst v10;
	v0 =	vor.u32 v0, v4;
	s14 =	sadd.s32 $0x80, s14  }
0x31: {  	v4 =	vld [tilespmem:s14+$0x30];
	p0 =	slt.u32 s19, $0x70;
	[tilespmem:s18+$0xFFFFFFE0] =	vst v0;
	v0 =	vor.u32 v1, v5  }
0x32: {  	v1 =	vld [tilespmem:s22+$0xFFFFFFD0];
	[tilespmem:s18+$0xFFFFFFF0] =	vst v0;
	v0 =	vor.u32 v7, v2  }
0x33: {  	v2 =	vld [tilespmem:s22+$0xFFFFFFE0];
	[tilespmem:s18+$0x0] =	vst v0;
	v0 =	vor.u32 v8, v6  }
0x34: {  	v5 =	vld [tilespmem:s22+$0xFFFFFFF0];
	[tilespmem:s18+$0x10] =	vst v0;
	v0 =	vor.u32 v9, v3  }
0x35: {  	v3 =	vld [tilespmem:s22+$0x0];
	v6 =	vshll.u32 v11, $0xA;
	[tilespmem:s18+$0x20] =	vst v0  }
0x36: {  	s18 =	sadd.s32 $0x80, s18;
	v7 =	vld [tilespmem:s22+$0x10];
	v0 =	vor.u32 v4, v6  }
0x37: {  	s23 =	simm.s32 $0x0;
	v9 =	vshll.u32 v1, $0xA;
	v8 =	vld [tilespmem:s22+$0x20];
	[tilespmem:s18+$0x30] =	vst v0  }
0x38: {  	v10 =	vld [tilespmem:s22+$0xFFFFFFC0];
	v4 =	vshll.u32 v2, $0xA  }
0x39: {  	v11 =	vld [tilespmem:s14+$0xFFFFFFC0];
	v5 =	vshll.u32 v5, $0xA  }
0x3a: {  	v12 =	vld [tilespmem:s14+$0xFFFFFFD0];
	v2 =	vshll.u32 v3, $0xA  }
.Ltmp0:
0x3b: {  	v0 =	vld [tilespmem:s14+$0xFFFFFFE0];
	v6 =	vshll.u32 v7, $0xA;
	(pc) =	sbr.rel @p0 .LBB2_3-.Ltmp0, $4  }
0x3c: {  	v1 =	vld [tilespmem:s14+$0xFFFFFFF0];
	v3 =	vshll.u32 v8, $0xA  }
0x3d: {  	v8 =	vshll.u32 v10, $0xA;
	v7 =	vld [tilespmem:s14+$0x0]  }
0x3e: {  	s17 =	sadd.s32 $0x80, s17;
	v10 =	vor.u32 v11, v8;
	v8 =	vld [tilespmem:s14+$0x10]  }
0x3f: {  	s22 =	sadd.s32 $0x80, s22;
	[tilespmem:s17+$0x0] =	vst v10;
	v10 =	vor.u32 v12, v9;
	v9 =	vld [tilespmem:s14+$0x20]  }
0x40: {  	[tilespmem:s18+$0xFFFFFFD0] =	vst v10;
	v0 =	vor.u32 v0, v4  }
0x41: {  	[tilespmem:s18+$0xFFFFFFE0] =	vst v0;
	v60 =	vor.u32 v1, v5  }
0x42: {  	[tilespmem:s18+$0xFFFFFFF0] =	vst v60;
	v61 =	vor.u32 v7, v2  }
0x43: {  	[tilespmem:s18+$0x0] =	vst v61;
	v62 =	vor.u32 v8, v6  }
0x44: {  	[tilespmem:s18+$0x10] =	vst v62;
	v63 =	vor.u32 v9, v3  }
0x45: {  	[tilespmem:s18+$0x20] =	vst v63  }
.LBB2_5:
0x46: {  	s14 =	sshra.s32 s23, $0x2  }
0x47: {  	v0 =	vld [tilespmem:s14+$0x1DB00]  }
0x48: {  	v1 =	vld [tilespmem:s14+$0x1E300]  }
0x49: {  	p0 =	sne.s32 s23, $0x100  }
.Ltmp1:
0x4a: {  	_ = 	snop;
	(pc) =	sbr.rel @p0 .LBB2_5-.Ltmp1, $4  }
0x4b: {  	_ = 	snop  }
0x4c: {  	v0 =	vshll.u32 v0, $0xA  }
0x4d: {  	s14 =	sadd.s32 s14, s2;
	v0 =	vor.u32 v1, v0  }
0x4e: {  	s23 =	sadd.s32 $0x40, s23;
	[tilespmem:s14+$0x0] =	vst v0  }
0x4f: {  	s14 =	simm.s32 $0x5  }
0x50: {  	_ =	swait.ge [sflag:s14], $0x7D0  }
0x51: {  	[sflag:s14] =	ssyncset.done $0x0  }
0x52: {  	[sflag:s14] =	ssyncadd.s32 $0xFFFFF830  }
0x53: {  	_ =	swait.ge [sflag:s14], $0x7D0  }
0x54: {  	s13 =	sadd.s32 $0x1F4, s13;
	[sflag:s14] =	ssyncset.done $0x0  }
0x55: {  	s30 =	sadd.s32 s21, s13;
	[sflag:s14] =	ssyncadd.s32 $0xFFFFF830  }
0x56: {  	[tilespmem:s11], [sflag:$0x3] =	stream.linear.gather [hbm4b:s30+s3], $0x7D0, $0x38;
	[tilespmem:$0x1F380] =	vst v63  }
0x57: {  	s31 =	simm.s32 $0x1E3C0;
	s13 =	sadd.s32 s24, s13  }
0x58: {  	[tilespmem:s12], [sflag:$0x4] =	stream.linear.gather [hbm4b:s13+s3], $0x7D0, $0x38;
	[tilespmem:$0x1F380] =	vst v63  }
0x59: {  	s13 =	simm.s32 $0x1EBC0;
	v0 =	vld [tilespmem:s31+$0x30]  }
0x5a: {  	v1 =	vld [tilespmem:s13+$0x30]  }
0x5b: {  	v2 =	vld [tilespmem:s31+$0xFFFFFFD0]  }
0x5c: {  	v3 =	vld [tilespmem:s31+$0xFFFFFFE0]  }
0x5d: {  	v8 =	vld [tilespmem:s31+$0xFFFFFFF0]  }
0x5e: {  	v9 =	vld [tilespmem:s31+$0x0]  }
0x5f: {  	v10 =	vld [tilespmem:s31+$0x10]  }
0x60: {  	v11 =	vld [tilespmem:s31+$0x20]  }
0x61: {  	v6 =	vld [tilespmem:s31+$0xFFFFFFC0]  }
0x62: {  	v12 =	vld [tilespmem:s13+$0xFFFFFFC0]  }
0x63: {  	v13 =	vld [tilespmem:s13+$0xFFFFFFD0]  }
0x64: {  	v7 =	vld [tilespmem:s13+$0xFFFFFFE0]  }
0x65: {  	v5 =	vld [tilespmem:s13+$0xFFFFFFF0];
	v0 =	vshll.u32 v0, $0xA;
	v14 =	vshll.u32 v2, $0xA  }
0x66: {  	v4 =	vshll.u32 v3, $0xA;
	v2 =	vshll.u32 v6, $0xA;
	v6 =	vld [tilespmem:s13+$0x0];
	v0 =	vor.u32 v1, v0  }
0x67: {  	v3 =	vshll.u32 v8, $0xA;
	v8 =	vld [tilespmem:s13+$0x10];
	v1 =	vshll.u32 v9, $0xA;
	v9 =	vor.u32 v12, v2;
	[tilespmem:s5+$0x0] =	vst v0  }
0x68: {  	s17 =	simm.s32 $0x0;
	s18 =	simm.s32 $0x1E440;
	s14 =	smov.u32 s5;
	v2 =	vshll.u32 v10, $0xA;
	v10 =	vor.u32 v13, v14;
	v0 =	vshll.u32 v11, $0xA;
	[tilespmem:s16+$0x0] =	vst v9;
	v9 =	vld [tilespmem:s13+$0x20]  }
.LBB2_7:
0x69: {  	v11 =	vld [tilespmem:s18+$0x30];
	s17 =	sadd.s32 $0x8, s17;
	[tilespmem:s14+$0xFFFFFFA0] =	vst v10;
	v4 =	vor.u32 v7, v4;
	s13 =	sadd.s32 $0x80, s13  }
0x6a: {  	v7 =	vld [tilespmem:s13+$0x30];
	p0 =	slt.u32 s17, $0x70;
	[tilespmem:s14+$0xFFFFFFB0] =	vst v4;
	v3 =	vor.u32 v5, v3  }
0x6b: {  	v4 =	vld [tilespmem:s18+$0xFFFFFFD0];
	[tilespmem:s14+$0xFFFFFFC0] =	vst v3;
	v1 =	vor.u32 v6, v1  }
0x6c: {  	v3 =	vld [tilespmem:s18+$0xFFFFFFE0];
	[tilespmem:s14+$0xFFFFFFD0] =	vst v1;
	v1 =	vor.u32 v8, v2  }
0x6d: {  	v2 =	vld [tilespmem:s18+$0xFFFFFFF0];
	[tilespmem:s14+$0xFFFFFFE0] =	vst v1;
	v0 =	vor.u32 v9, v0  }
0x6e: {  	v1 =	vld [tilespmem:s18+$0x0];
	v5 =	vshll.u32 v11, $0xA;
	[tilespmem:s14+$0xFFFFFFF0] =	vst v0  }
0x6f: {  	s14 =	sadd.s32 $0x80, s14;
	v0 =	vld [tilespmem:s18+$0x10];
	v5 =	vor.u32 v7, v5  }
0x70: {  	s19 =	simm.s32 $0x0;
	v9 =	vshll.u32 v4, $0xA;
	v6 =	vld [tilespmem:s18+$0x20];
	[tilespmem:s14+$0x0] =	vst v5  }
0x71: {  	v8 =	vld [tilespmem:s18+$0xFFFFFFC0];
	v4 =	vshll.u32 v3, $0xA  }
0x72: {  	v10 =	vld [tilespmem:s13+$0xFFFFFFC0];
	v3 =	vshll.u32 v2, $0xA  }
0x73: {  	v11 =	vld [tilespmem:s13+$0xFFFFFFD0];
	v1 =	vshll.u32 v1, $0xA  }
.Ltmp2:
0x74: {  	v7 =	vld [tilespmem:s13+$0xFFFFFFE0];
	v2 =	vshll.u32 v0, $0xA;
	(pc) =	sbr.rel @p0 .LBB2_7-.Ltmp2, $4  }
0x75: {  	v5 =	vld [tilespmem:s13+$0xFFFFFFF0];
	v0 =	vshll.u32 v6, $0xA  }
0x76: {  	v8 =	vshll.u32 v8, $0xA;
	v6 =	vld [tilespmem:s13+$0x0]  }
0x77: {  	s16 =	sadd.s32 $0x80, s16;
	v10 =	vor.u32 v10, v8;
	v8 =	vld [tilespmem:s13+$0x10]  }
0x78: {  	s18 =	sadd.s32 $0x80, s18;
	[tilespmem:s16+$0x0] =	vst v10;
	v10 =	vor.u32 v11, v9;
	v9 =	vld [tilespmem:s13+$0x20]  }
0x79: {  	[tilespmem:s14+$0xFFFFFFA0] =	vst v10;
	v4 =	vor.u32 v7, v4  }
0x7a: {  	[tilespmem:s14+$0xFFFFFFB0] =	vst v4;
	v3 =	vor.u32 v5, v3  }
0x7b: {  	[tilespmem:s14+$0xFFFFFFC0] =	vst v3;
	v1 =	vor.u32 v6, v1  }
0x7c: {  	[tilespmem:s14+$0xFFFFFFD0] =	vst v1;
	v63 =	vor.u32 v8, v2  }
0x7d: {  	[tilespmem:s14+$0xFFFFFFE0] =	vst v63;
	v0 =	vor.u32 v9, v0  }
0x7e: {  	[tilespmem:s14+$0xFFFFFFF0] =	vst v0  }
.LBB2_9:
0x7f: {  	s13 =	sshra.s32 s19, $0x2  }
0x80: {  	v0 =	vld [tilespmem:s13+$0x1EB00]  }
0x81: {  	v1 =	vld [tilespmem:s13+$0x1F300]  }
0x82: {  	p0 =	sne.s32 s19, $0x100  }
.Ltmp3:
0x83: {  	_ = 	snop;
	(pc) =	sbr.rel @p0 .LBB2_9-.Ltmp3, $4  }
0x84: {  	_ = 	snop  }
0x85: {  	v0 =	vshll.u32 v0, $0xA  }
0x86: {  	s13 =	sadd.s32 s13, s6;
	v0 =	vor.u32 v1, v0  }
0x87: {  	s19 =	sadd.s32 $0x40, s19;
	[tilespmem:s13+$0x0] =	vst v0  }
0x88: {  	s15 =	sadd.s32 $0x1, s15  }
0x89: {  	p0 =	sne.s32 s15, $0xC  }
.Ltmp4:
0x8a: {  	_ = 	snop;
	(pc) =	sbr.rel @p0 .LBB2_2-.Ltmp4, $4  }
0x8b: {  	_ = 	snop  }
0x8c: {  	s9 =	sadd.s32 $0xFA0, s9;
	s8 =	sadd.s32 $0x1, s8  }
0x8d: {  	s0 =	sadd.s32 $0xFA0, s0;
	s2 =	sadd.s32 $0xFA0, s2;
	s4 =	sadd.s32 $0xFA0, s4  }
0x8e: {  	s7 =	sadd.s32 $0x2, s7;
	s5 =	sadd.s32 $0xFA0, s5;
	s6 =	sadd.s32 $0xFA0, s6  }
0x8f: {  	_ =	swait.ge [sflag:s25], $0x7D0  }
0x90: {  	[sflag:s25] =	ssyncset.done $0x0  }
0x91: {  	[sflag:s25] =	ssyncadd.s32 $0xFFFFF830  }
0x92: {  	_ =	swait.ge [sflag:s26], $0x7D0  }
0x93: {  	[sflag:s26] =	ssyncset.done $0x0  }
0x94: {  	s0 =	simm.s32 $0x0;
	[sflag:s26] =	ssyncadd.s32 $0xFFFFF830  }
0x95: {  	v0 =	vld [tilespmem:s0+$0x1D3F0]  }
0x96: {  	v1 =	vld [tilespmem:s0+$0x1DBF0]  }
0x97: {  	v3 =	vld [tilespmem:s0+$0x1D380]  }
0x98: {  	v4 =	vld [tilespmem:s0+$0x1D390]  }
0x99: {  	v6 =	vld [tilespmem:s0+$0x1D3A0]  }
0x9a: {  	v9 =	vld [tilespmem:s0+$0x1D3B0]  }
0x9b: {  	v10 =	vld [tilespmem:s0+$0x1D3C0]  }
0x9c: {  	v11 =	vld [tilespmem:s0+$0x1D3D0]  }
0x9d: {  	v12 =	vld [tilespmem:s0+$0x1D3E0]  }
0x9e: {  	v13 =	vld [tilespmem:s0+$0x1DB80]  }
0x9f: {  	v8 =	vld [tilespmem:s0+$0x1DB90]  }
0xa0: {  	v2 =	vld [tilespmem:s0+$0x1DBA0];
	v0 =	vshll.u32 v0, $0xA  }
0xa1: {  	v5 =	vld [tilespmem:s0+$0x1DBB0];
	v14 =	vshll.u32 v3, $0xA;
	v7 =	vshll.u32 v4, $0xA;
	v6 =	vshll.u32 v6, $0xA  }
0xa2: {  	s6 =	simm.s32 $0x0;
	s2 =	simm.s32 $0x1E300;
	v3 =	vshll.u32 v9, $0xA;
	v9 =	vld [tilespmem:s0+$0x1DBC0];
	v4 =	vshll.u32 v11, $0xA;
	v1 =	vor.u32 v1, v0  }
0xa3: {  	s4 =	simm.s32 $0xBB80;
	s5 =	simm.s32 $0x1DB00;
	s7 =	simm.s32 $0x200;
	v0 =	vshll.u32 v10, $0xA;
	v11 =	vor.u32 v13, v14;
	v10 =	vld [tilespmem:s0+$0x1DBD0];
	[tilespmem:s0+$0xBBF0] =	vst v1;
	v1 =	vshll.u32 v12, $0xA  }
.LBB2_12:
0xa4: {  	s8 =	sshra.s32 s7, $0x2;
	s6 =	sadd.s32 $0x8, s6;
	[tilespmem:s0+$0xBB80] =	vst v11;
	v7 =	vor.u32 v8, v7;
	v8 =	vld [tilespmem:s0+$0x1DBE0]  }
0xa5: {  	v11 =	vld [tilespmem:s8+$0x1D3F0];
	p0 =	slt.u32 s6, $0x70;
	[tilespmem:s0+$0xBB90] =	vst v7;
	v2 =	vor.u32 v2, v6  }
0xa6: {  	v6 =	vld [tilespmem:s8+$0x1DBF0];
	[tilespmem:s0+$0xBBA0] =	vst v2;
	v2 =	vor.u32 v5, v3  }
0xa7: {  	v3 =	vld [tilespmem:s8+$0x1D380];
	[tilespmem:s0+$0xBBB0] =	vst v2;
	v0 =	vor.u32 v9, v0  }
0xa8: {  	v2 =	vld [tilespmem:s8+$0x1D390];
	[tilespmem:s0+$0xBBC0] =	vst v0;
	v0 =	vor.u32 v10, v4  }
0xa9: {  	v4 =	vld [tilespmem:s8+$0x1D3A0];
	[tilespmem:s0+$0xBBD0] =	vst v0;
	v0 =	vor.u32 v8, v1  }
0xaa: {  	v1 =	vld [tilespmem:s8+$0x1D3B0];
	v5 =	vshll.u32 v11, $0xA;
	[tilespmem:s0+$0xBBE0] =	vst v0;
	s0 =	smov.u32 s8  }
0xab: {  	v0 =	vld [tilespmem:s0+$0x1D3C0];
	v5 =	vor.u32 v6, v5  }
0xac: {  	s8 =	simm.s32 $0x780;
	v10 =	vshll.u32 v3, $0xA;
	v9 =	vld [tilespmem:s0+$0x1D3D0];
	[tilespmem:s0+$0xBBF0] =	vst v5  }
0xad: {  	v7 =	vshll.u32 v2, $0xA;
	v11 =	vld [tilespmem:s0+$0x1D3E0]  }
0xae: {  	v12 =	vld [tilespmem:s0+$0x1DB80];
	v6 =	vshll.u32 v4, $0xA  }
.Ltmp5:
0xaf: {  	v8 =	vld [tilespmem:s0+$0x1DB90];
	v3 =	vshll.u32 v1, $0xA;
	(pc) =	sbr.rel @p0 .LBB2_12-.Ltmp5, $4  }
0xb0: {  	v2 =	vld [tilespmem:s0+$0x1DBA0];
	v0 =	vshll.u32 v0, $0xA  }
0xb1: {  	v5 =	vld [tilespmem:s0+$0x1DBB0];
	v4 =	vshll.u32 v9, $0xA  }
0xb2: {  	v9 =	vld [tilespmem:s0+$0x1DBC0];
	v1 =	vshll.u32 v11, $0xA  }
0xb3: {  	s7 =	sadd.s32 $0x200, s7;
	v11 =	vor.u32 v12, v10;
	v10 =	vld [tilespmem:s0+$0x1DBD0]  }
0xb4: {  	[tilespmem:s0+$0xBB80] =	vst v11;
	v7 =	vor.u32 v8, v7;
	v60 =	vld [tilespmem:s0+$0x1DBE0]  }
0xb5: {  	[tilespmem:s0+$0xBB90] =	vst v7;
	v2 =	vor.u32 v2, v6  }
0xb6: {  	[tilespmem:s0+$0xBBA0] =	vst v2;
	v61 =	vor.u32 v5, v3  }
0xb7: {  	[tilespmem:s0+$0xBBB0] =	vst v61;
	v0 =	vor.u32 v9, v0  }
0xb8: {  	[tilespmem:s0+$0xBBC0] =	vst v0;
	v62 =	vor.u32 v10, v4  }
0xb9: {  	[tilespmem:s0+$0xBBD0] =	vst v62;
	v63 =	vor.u32 v60, v1  }
0xba: {  	[tilespmem:s0+$0xBBE0] =	vst v63  }
.LBB2_14:
0xbb: {  	v0 =	vld [tilespmem:s5+$0x0]  }
0xbc: {  	v1 =	vld [tilespmem:s2+$0x0]  }
0xbd: {  	p0 =	sne.s32 s8, $0x7C0  }
.Ltmp6:
0xbe: {  	_ = 	snop;
	(pc) =	sbr.rel @p0 .LBB2_14-.Ltmp6, $4  }
0xbf: {  	_ = 	snop  }
0xc0: {  	s0 =	sand.u32 $0x3FFFFF80, s8;
	v0 =	vshll.u32 v0, $0xA  }
0xc1: {  	s5 =	sadd.s32 $0x10, s5;
	s2 =	sadd.s32 $0x10, s2;
	s0 =	sadd.s32 s0, s4;
	v0 =	vor.u32 v1, v0  }
0xc2: {  	s8 =	sadd.s32 $0x10, s8;
	s6 =	simm.s32 $0x0;
	s4 =	sadd.s32 $0x10, s4;
	[tilespmem:s0+$0x0] =	vst v0  }
.LBB2_15:
0xc3: {  	s2 =	simm.s32 $0x6  }
0xc4: {  	p0 =	por $0x0, $0x0;
	s28 =	simm.s32 $0x40;
	s29 =	simm.s32 $0x780  }
0xc5: {  	s30 =	simm.s32 $0x7D0;
	s31 =	simm.s32 $0x4;
	s7 =	simm.s32 $0xFA0  }
0xc6: {  	s9 =	simm.s32 $0x1010;
	s23 =	simm.s32 $0x1720;
	s15 =	simm.s32 $0x1770  }
0xc7: {  	s16 =	simm.s32 $0x17E0;
	s5 =	simm.s32 $0x1EF0;
	s8 =	simm.s32 $0x0  }
0xc8: {  	s18 =	simm.s32 $0x0;
	_ =	swait.ge [sflag:s2], $0x10000;
	[dreg:$0xb] =	wrdreg s6  }
0xc9: {  	s22 =	simm.s32 $0x0;
	s0 =	rddreg [dreg:$0x5];
	[sflag:s2] =	ssyncset.done $0x0  }
0xca: {  	s0 =	sor.u32 s0, s6;
	[sflag:s2] =	ssyncadd.s32 $0xFFFF0000;
	s2 =	simm.s32 $0xF50  }
0xcb: {  	[dreg:$0xc] =	wrdreg s0;
	s26 =	smul.u32 $0xC350, s0;
	s0 =	simm.s32 $0x840  }
.LBB2_16:
0xcc: {  	p1 =	seq.s32 s22, $0x0  }
0xcd: {  	s4 =	simm.s32 @!p1 $0x1  }
0xce: {  	_ =	swait.ge @!p1 [sflag:s4], $0x7D0  }
0xcf: {  	[sflag:s4] =	ssyncset.done @!p1 $0x0  }
0xd0: {  	[sflag:s4] =	ssyncadd.s32 @!p1 $0xFFFFF830  }
0xd1: {  	v0 =	vld [tilespmem:s28+$0xFFFFFFD0]  }
0xd2: {  	v1 =	vld [tilespmem:s28+$0x30]  }
0xd3: {  	v2 =	vld [tilespmem:s28+$0x20]  }
0xd4: {  	v10 =	vld [tilespmem:s28+$0x10]  }
0xd5: {  	v5 =	vld [tilespmem:s28+$0xFFFFFFE0]  }
0xd6: {  	v4 =	vshrl.u32 v0, $0x3  }
0xd7: {  	v6 =	vshll.u32 v0, $0x3;
	v0 =	vand.u32 $0xFFFFE07F, v0;
	v7 =	vshrl.u32 v1, $0x3  }
0xd8: {  	v8 =	vand.u32 $0xFFFFE07F, v2;
	v9 =	vshll.u32 v1, $0x3;
	v1 =	vand.u32 $0xFFFFE07F, v1  }
0xd9: {  	v3 =	vld [tilespmem:s28+$0xFFFFFFF0];
	v11 =	vshll.u32 v2, $0x3;
	v2 =	vshrl.u32 v2, $0x3;
	v12 =	vand.u32 $0xFFFFE07F, v10  }
0xda: {  	s4 =	simm.s32 $0x1;
	v13 =	vshrl.u32 v5, $0x3;
	v14 =	vshll.u32 v10, $0x3;
	v10 =	vshrl.u32 v10, $0x3  }
0xdb: {  	s6 =	sshll.u32 s18, $0x2;
	s4 =	simm.s32 @!p0 $0x0;
	v4 =	vand.u32 $0x380, v4;
	v6 =	vand.u32 $0x1C00, v6;
	v7 =	vand.u32 $0x380, v7  }
0xdc: {  	s6 =	sand.u32 $0xFFFFFE00, s6;
	s4 =	sshll.u32 s4, $0x8;
	v9 =	vand.u32 $0x1C00, v9;
	v14 =	vand.u32 $0x1C00, v14;
	v13 =	vand.u32 $0x380, v13  }
0xdd: {  	v15 =	vld [tilespmem:s28+$0x0];
	s4 =	sor.u32 s4, s6;
	v10 =	vand.u32 $0x380, v10;
	v2 =	vand.u32 $0x380, v2;
	v11 =	vand.u32 $0x1C00, v11  }
0xde: {  	s4 =	sshrl.u32 s4, $0x2;
	v0 =	vor.u32 v6, v0;
	v6 =	vshll.u32 v3, $0x3;
	v1 =	vor.u32 v9, v1  }
0xdf: {  	v9 =	vshll.u32 v5, $0x3;
	v12 =	vor.u32 v14, v12;
	v0 =	vor.u32 v4, v0;
	v4 =	vld [tilespmem:s4+$0x0]  }
0xe0: {  	s24 =	sadd.s32 $0x80, s28;
	v5 =	vand.u32 $0xFFFFE07F, v5;
	v6 =	vand.u32 $0x1C00, v6;
	v1 =	vor.u32 v7, v1  }
0xe1: {  	v60 =	vld [tilespmem:s24+$0x30];
	s25 =	sadd.s32 $0x80, s4;
	v7 =	vand.u32 $0x1C00, v9;
	v9 =	vand.u32 $0xFFFFE07F, v3;
	v3 =	vshrl.u32 v3, $0x3  }
0xe2: {  	v19 =	vld [tilespmem:s25+$0x0];
	v3 =	vand.u32 $0x380, v3;
	v6 =	vor.u32 v6, v9;
	v9 =	vshll.u32 v15, $0x3  }
0xe3: {  	v18 =	vld [tilespmem:s24+$0x20];
	v5 =	vor.u32 v7, v5;
	v9 =	vand.u32 $0x1C00, v9;
	v6 =	vor.u32 v3, v6  }
0xe4: {  	v5 =	vor.u32 v13, v5;
	v14 =	vshll.u32 v4, $0x3;
	v16 =	vshrl.u32 v4, $0x3;
	v17 =	vld.idx.msk [tilespmem:v0+s10+$0x0], $0xffff  }
0xe5: {  	v4 =	vand.u32 $0xFFFFE07F, v4;
	v0 =	vor.u32 v10, v12;
	v12 =	vld [tilespmem:s24+$0xFFFFFFD0];
	v14 =	vand.u32 $0x1C00, v14  }
0xe6: {  	v13 =	vld [tilespmem:s24+$0x10];
	v4 =	vor.u32 v14, v4;
	v14 =	vshrl.u32 v15, $0x3;
	v15 =	vand.u32 $0xFFFFE07F, v15  }
0xe7: {  	v63 =	vand.u32 $0xFFFFE07F, v19;
	v14 =	vand.u32 $0x380, v14;
	v9 =	vor.u32 v9, v15;
	v15 =	vld.idx.msk [tilespmem:v1+s10+$0x0], $0xffff  }
0xe8: {  	v10 =	vand.u32 $0x380, v16;
	v62 =	vld.idx.msk [tilespmem:v6+s10+$0x0], $0xffff;
	v1 =	vor.u32 v11, v8;
	v7 =	vor.u32 v14, v9  }
0xe9: {  	v16 =	vand.u32 $0xFFFFE07F, v60;
	v8 =	vld [tilespmem:s24+$0xFFFFFFF0];
	v4 =	vor.u32 v10, v4;
	v2 =	vor.u32 v2, v1  }
0xea: {  	v9 =	vld [tilespmem:s24+$0xFFFFFFE0];
	v14 =	vshll.u32 v60, $0x3;
	v1 =	vshll.u32 v12, $0x3;
	v3 =	vshrl.u32 v12, $0x3  }
0xeb: {  	s13 =	simm.s32 $0x1C3C0;
	v10 =	vld.idx.msk [tilespmem:v0+s10+$0x0], $0xffff;
	v11 =	vand.u32 $0xFFFFE07F, v12;
	v12 =	vshrl.u32 v60, $0x3;
	v0 =	vand.u32 $0xFFFFE07F, v18  }
0xec: {  	v14 =	vand.u32 $0x1C00, v14;
	v3 =	vand.u32 $0x380, v3;
	v20 =	vand.u32 $0x1C00, v1;
	[tilespmem:s13+$0x30] =	vst v15;
	v15 =	vld.idx.msk [tilespmem:v5+s10+$0x0], $0xffff  }
0xed: {  	v1 =	vshll.u32 v18, $0x3;
	v12 =	vand.u32 $0x380, v12;
	v11 =	vor.u32 v20, v11;
	v7 =	vld.idx.msk [tilespmem:v7+s10+$0x0], $0xffff  }
0xee: {  	v61 =	vshll.u32 v8, $0x3;
	v22 =	vor.u32 v3, v11;
	v21 =	vld.idx.msk [tilespmem:v2+s10+$0x0], $0xffff;
	v2 =	vor.u32 v14, v16  }
0xef: {  	s14 =	sshll.u32 s15, $0x2;
	s17 =	sshll.u32 s31, $0x6;
	s19 =	sshll.u32 s30, $0x2;
	v5 =	vand.u32 $0xFFFFE07F, v8;
	v14 =	vld.idx.msk [tilespmem:v4+s10+$0x0], $0xffff;
	v4 =	vshll.u32 v9, $0x3;
	v12 =	vor.u32 v12, v2  }
0xf0: {  	s19 =	sand.u32 $0xFFFFFE00, s19;
	s6 =	sand.u32 $0x1C0, s17;
	s17 =	sand.u32 $0x3, s8;
	[tilespmem:s13+$0xFFFFFFD0] =	vst v17;
	v2 =	vand.u32 $0x1C00, v4;
	v4 =	vshrl.u32 v8, $0x3;
	v8 =	vshll.u32 v13, $0x3  }
0xf1: {  	s21 =	smul.u32 $0x1F40, s22;
	s17 =	sshll.u32 s17, $0x7;
	s19 =	sor.u32 s6, s19;
	v18 =	vshrl.u32 v18, $0x3;
	[tilespmem:s13+$0xFFFFFFF0] =	vst v62;
	v11 =	vand.u32 $0xFFFFE07F, v13;
	v8 =	vand.u32 $0x1C00, v8  }
0xf2: {  	s19 =	sshrl.u32 s19, $0x2;
	s4 =	sand.u32 $0xFFFFFE00, s14;
	s14 =	sshll.u32 s7, $0x2;
	v3 =	vand.u32 $0x1C00, v61;
	[tilespmem:s13+$0x10] =	vst v10;
	v10 =	vshrl.u32 v13, $0x3;
	v8 =	vor.u32 v8, v11;
	v11 =	vld [tilespmem:s24+$0x0]  }
0xf3: {  	s19 =	sadd.s32 $0x10, s19;
	s4 =	sor.u32 s6, s4;
	s14 =	sand.u32 $0xFFFFFE00, s14;
	v6 =	vshrl.u32 v9, $0x3;
	v9 =	vand.u32 $0xFFFFE07F, v9;
	[tilespmem:s13+$0x0] =	vst v7;
	v7 =	vand.u32 $0x380, v10  }
0xf4: {  	s25 =	sadd.s32 $0x80, s25;
	s4 =	sshrl.u32 s4, $0x2;
	s14 =	sor.u32 s17, s14;
	v6 =	vand.u32 $0x380, v6;
	[tilespmem:s13+$0xFFFFFFE0] =	vst v15;
	v10 =	vshll.u32 v19, $0x3;
	v7 =	vor.u32 v7, v8;
	v8 =	vld.idx.msk [tilespmem:v22+s10+$0x0], $0xffff  }
0xf5: {  	s6 =	sadd.s32 $0x30, s4;
	s14 =	sshrl.u32 s14, $0x2;
	s4 =	sadd.s32 s26, s21;
	v4 =	vand.u32 $0x380, v4;
	[tilespmem:s13+$0xFFFFFFC0] =	vst v14;
	v14 =	vshrl.u32 v19, $0x3;
	v13 =	vand.u32 $0x1C00, v10;
	v10 =	vld.idx.msk [tilespmem:v12+s10+$0x0], $0xffff  }
0xf6: {  	s17 =	sadd.s32 $0x20, s14;
	s14 =	simm.s32 $0x8;
	s24 =	sadd.s32 $0x80, s24;
	[tilespmem:s13+$0x20] =	vst v21;
	v12 =	vand.u32 $0x380, v14;
	v14 =	vand.u32 $0x380, v18;
	v13 =	vor.u32 v13, v63  }
.LBB2_17:
0xf7: {  	v15 =	vld [tilespmem:s24+$0xFFFFFFD0];
	s14 =	sadd.s32 $0x8, s14;
	v3 =	vor.u32 v3, v5;
	v5 =	vshll.u32 v11, $0x3;
	v16 =	vshrl.u32 v11, $0x3;
	s13 =	sadd.s32 $0x80, s13  }
0xf8: {  	v11 =	vand.u32 $0xFFFFE07F, v11;
	v1 =	vand.u32 $0x1C00, v1;
	v17 =	vld [tilespmem:s24+$0x30];
	p2 =	slt.u32 s14, $0x70;
	v5 =	vand.u32 $0x1C00, v5  }
0xf9: {  	v0 =	vor.u32 v1, v0;
	v18 =	vld [tilespmem:s24+$0x20];
	[tilespmem:s13+$0xFFFFFFD0] =	vst v8;
	v8 =	vand.u32 $0x380, v16;
	v5 =	vor.u32 v5, v11  }
0xfa: {  	v1 =	vor.u32 v2, v9;
	v11 =	vld [tilespmem:s24+$0xFFFFFFF0];
	v2 =	vor.u32 v8, v5;
	v5 =	vor.u32 v14, v0;
	[tilespmem:s13+$0x30] =	vst v10  }
0xfb: {  	v4 =	vor.u32 v4, v3;
	v6 =	vor.u32 v6, v1;
	v9 =	vld [tilespmem:s24+$0xFFFFFFE0]  }
0xfc: {  	v3 =	vor.u32 v12, v13;
	v1 =	vshll.u32 v15, $0x3;
	v0 =	vshrl.u32 v15, $0x3;
	v7 =	vld.idx.msk [tilespmem:v7+s10+$0x0], $0xffff  }
0xfd: {  	v10 =	vand.u32 $0xFFFFE07F, v15;
	v8 =	vand.u32 $0x380, v0;
	v12 =	vld [tilespmem:s24+$0x10];
	v13 =	vshrl.u32 v17, $0x3  }
0xfe: {  	v15 =	vshll.u32 v17, $0x3;
	v16 =	vand.u32 $0xFFFFE07F, v17;
	v14 =	vld [tilespmem:s25+$0x0];
	v0 =	vand.u32 $0xFFFFE07F, v18  }
0xff: {  	v17 =	vand.u32 $0x1C00, v1;
	v1 =	vshll.u32 v18, $0x3;
	v13 =	vand.u32 $0x380, v13;
	v19 =	vld.idx.msk [tilespmem:v2+s10+$0x0], $0xffff  }
0x100: {  	v15 =	vand.u32 $0x1C00, v15;
	v2 =	vor.u32 v17, v10;
	v10 =	vshll.u32 v11, $0x3;
	v17 =	vld.idx.msk [tilespmem:v5+s10+$0x0], $0xffff  }
0x101: {  	v18 =	vshrl.u32 v18, $0x3;
	v8 =	vor.u32 v8, v2;
	v2 =	vor.u32 v15, v16;
	v15 =	vld.idx.msk [tilespmem:v3+s10+$0x0], $0xffff  }
0x102: {  	v5 =	vshll.u32 v9, $0x3;
	v3 =	vand.u32 $0x1C00, v10;
	v10 =	vor.u32 v13, v2;
	v13 =	vld.idx.msk [tilespmem:v6+s10+$0x0], $0xffff;
	[tilespmem:s13+$0x10] =	vst v7  }
0x103: {  	v2 =	vand.u32 $0x1C00, v5;
	v5 =	vand.u32 $0xFFFFE07F, v11;
	v7 =	vand.u32 $0xFFFFE07F, v12;
	v16 =	vld.idx.msk [tilespmem:v4+s10+$0x0], $0xffff  }
0x104: {  	v6 =	vshrl.u32 v9, $0x3;
	v20 =	vshll.u32 v12, $0x3;
	v4 =	vshrl.u32 v11, $0x3  }
.Ltmp7:
0x105: {  	v12 =	vshrl.u32 v12, $0x3;
	v20 =	vand.u32 $0x1C00, v20;
	v4 =	vand.u32 $0x380, v4;
	v11 =	vld [tilespmem:s24+$0x0];
	[tilespmem:s13+$0x0] =	vst v19;
	(pc) =	sbr.rel @p2 .LBB2_17-.Ltmp7, $4  }
0x106: {  	v6 =	vand.u32 $0x380, v6;
	v12 =	vand.u32 $0x380, v12;
	v7 =	vor.u32 v20, v7;
	v8 =	vld.idx.msk [tilespmem:v8+s10+$0x0], $0xffff;
	[tilespmem:s13+$0x20] =	vst v17  }
0x107: {  	v9 =	vand.u32 $0xFFFFE07F, v9;
	v7 =	vor.u32 v12, v7;
	v17 =	vshll.u32 v14, $0x3;
	v10 =	vld.idx.msk [tilespmem:v10+s10+$0x0], $0xffff;
	[tilespmem:s13+$0xFFFFFFC0] =	vst v15  }
0x108: {  	v12 =	vshrl.u32 v14, $0x3;
	v14 =	vand.u32 $0xFFFFE07F, v14;
	v15 =	vand.u32 $0x1C00, v17;
	[tilespmem:s13+$0xFFFFFFE0] =	vst v13  }
0x109: {  	s25 =	sadd.s32 $0x80, s25;
	s24 =	sadd.s32 $0x80, s24;
	v12 =	vand.u32 $0x380, v12;
	v13 =	vor.u32 v15, v14;
	v14 =	vand.u32 $0x380, v18;
	[tilespmem:s13+$0xFFFFFFF0] =	vst v16  }
0x10a: {  	v15 =	vshll.u32 v11, $0x3;
	v16 =	vshrl.u32 v11, $0x3  }
0x10b: {  	v58 =	vand.u32 $0xFFFFE07F, v11;
	v2 =	vor.u32 v2, v9;
	v61 =	vor.u32 v12, v13  }
0x10c: {  	v1 =	vand.u32 $0x1C00, v1;
	v3 =	vor.u32 v3, v5;
	v2 =	vor.u32 v6, v2  }
0x10d: {  	v15 =	vand.u32 $0x1C00, v15;
	v0 =	vor.u32 v1, v0;
	v3 =	vor.u32 v4, v3  }
0x10e: {  	v59 =	vand.u32 $0x380, v16;
	v11 =	vor.u32 v15, v58;
	v0 =	vor.u32 v14, v0  }
0x10f: {  	v62 =	vld.idx.msk [tilespmem:v7+s10+$0x0], $0xffff;
	v60 =	vor.u32 v59, v11  }
0x110: {  	v63 =	vld.idx.msk [tilespmem:v61+s10+$0x0], $0xffff  }
0x111: {  	s13 =	sadd.s32 $0x80, s13;
	v2 =	vld.idx.msk [tilespmem:v2+s10+$0x0], $0xffff  }
0x112: {  	[tilespmem:s13+$0xFFFFFFD0] =	vst v8;
	v3 =	vld.idx.msk [tilespmem:v3+s10+$0x0], $0xffff  }
0x113: {  	[tilespmem:s13+$0x30] =	vst v10;
	v0 =	vld.idx.msk [tilespmem:v0+s10+$0x0], $0xffff  }
0x114: {  	[tilespmem:s13+$0x10] =	vst v62;
	v1 =	vld.idx.msk [tilespmem:v60+s10+$0x0], $0xffff  }
0x115: {  	[tilespmem:s13+$0xFFFFFFC0] =	vst v63  }
0x116: {  	[tilespmem:s13+$0xFFFFFFE0] =	vst v2  }
0x117: {  	[tilespmem:s13+$0xFFFFFFF0] =	vst v3  }
0x118: {  	[tilespmem:s13+$0x20] =	vst v0  }
0x119: {  	[tilespmem:s13+$0x0] =	vst v1;
	s13 =	simm.s32 $0x0  }
.LBB2_19:
0x11a: {  	s14 =	sshra.s32 s13, $0x2  }
0x11b: {  	s21 =	sadd.s32 s14, s29  }
0x11c: {  	v0 =	vld [tilespmem:s21+$0x0];
	_ =	sdelay $0x4  }
0x11d: {  	v1 =	vshll.u32 v0, $0x3  }
0x11e: {  	v2 =	vshrl.u32 v0, $0x3;
	v0 =	vand.u32 $0xFFFFE07F, v0;
	v1 =	vand.u32 $0x1C00, v1  }
0x11f: {  	v2 =	vand.u32 $0x380, v2;
	v0 =	vor.u32 v1, v0  }
0x120: {  	v0 =	vor.u32 v2, v0;
	_ =	sdelay $0x4  }
0x121: {  	p2 =	sne.s32 s13, $0x100;
	v0 =	vld.idx.msk [tilespmem:v0+s10+$0x0], $0xffff  }
.Ltmp8:
0x122: {  	_ = 	snop;
	(pc) =	sbr.rel @p2 .LBB2_19-.Ltmp8, $2  }
0x123: {  	_ =	sdelay $0x2  }
0x124: {  	s13 =	sadd.s32 $0x40, s13;
	[tilespmem:s14+$0x1CB00] =	vst v0  }
0x125: {  	s13 =	sshrl.u32 s4, $0x3  }
0x126: {  	s13 =	sadd.s32 s1, s13  }
0x127: {  	[hbm4b:s13+s3] =	stream.linear.scatter [tilespmem:s20], [sflag:$0x1], $0x7D0, $0x38;
	[tilespmem:$0x1F380] =	vst v63  }
0x128: {  	s13 =	simm.s32 @!p1 $0x2  }
0x129: {  	_ =	swait.ge @!p1 [sflag:s13], $0x7D0  }
0x12a: {  	[sflag:s13] =	ssyncset.done @!p1 $0x0  }
0x12b: {  	[sflag:s13] =	ssyncadd.s32 @!p1 $0xFFFFF830  }
0x12c: {  	v0 =	vld [tilespmem:s0+$0xFFFFFFA0]  }
0x12d: {  	v1 =	vld [tilespmem:s0+$0x0]  }
0x12e: {  	v2 =	vld [tilespmem:s0+$0xFFFFFFF0]  }
0x12f: {  	v10 =	vld [tilespmem:s0+$0xFFFFFFE0]  }
0x130: {  	s21 =	sadd.s32 $0x80, s19;
	v5 =	vld [tilespmem:s0+$0xFFFFFFB0]  }
0x131: {  	v19 =	vld [tilespmem:s21+$0x0];
	v4 =	vshrl.u32 v0, $0x3  }
0x132: {  	v6 =	vshll.u32 v0, $0x3;
	v0 =	vand.u32 $0xFFFFE07F, v0;
	v7 =	vshrl.u32 v1, $0x3  }
0x133: {  	v8 =	vand.u32 $0xFFFFE07F, v2;
	v9 =	vshll.u32 v1, $0x3;
	v1 =	vand.u32 $0xFFFFE07F, v1  }
0x134: {  	v3 =	vld [tilespmem:s0+$0xFFFFFFC0];
	v11 =	vshll.u32 v2, $0x3;
	v2 =	vshrl.u32 v2, $0x3;
	v12 =	vand.u32 $0xFFFFE07F, v10  }
0x135: {  	v13 =	vshrl.u32 v5, $0x3;
	v14 =	vshll.u32 v10, $0x3;
	v10 =	vshrl.u32 v10, $0x3  }
0x136: {  	v63 =	vand.u32 $0xFFFFE07F, v19;
	v4 =	vand.u32 $0x380, v4;
	v6 =	vand.u32 $0x1C00, v6  }
0x137: {  	v7 =	vand.u32 $0x380, v7;
	v9 =	vand.u32 $0x1C00, v9;
	v14 =	vand.u32 $0x1C00, v14  }
0x138: {  	v15 =	vld [tilespmem:s0+$0xFFFFFFD0];
	v13 =	vand.u32 $0x380, v13;
	v10 =	vand.u32 $0x380, v10;
	v2 =	vand.u32 $0x380, v2  }
0x139: {  	v11 =	vand.u32 $0x1C00, v11;
	v0 =	vor.u32 v6, v0;
	v6 =	vshll.u32 v3, $0x3  }
0x13a: {  	v1 =	vor.u32 v9, v1;
	v9 =	vshll.u32 v5, $0x3;
	v0 =	vor.u32 v4, v0;
	v4 =	vld [tilespmem:s19+$0x0]  }
0x13b: {  	s24 =	sadd.s32 $0x80, s0;
	v12 =	vor.u32 v14, v12;
	v5 =	vand.u32 $0xFFFFE07F, v5;
	v6 =	vand.u32 $0x1C00, v6  }
0x13c: {  	v60 =	vld [tilespmem:s24+$0x0];
	v1 =	vor.u32 v7, v1;
	v7 =	vand.u32 $0x1C00, v9;
	v9 =	vand.u32 $0xFFFFE07F, v3  }
0x13d: {  	v3 =	vshrl.u32 v3, $0x3;
	v6 =	vor.u32 v6, v9;
	v9 =	vshll.u32 v15, $0x3  }
0x13e: {  	v3 =	vand.u32 $0x380, v3;
	v5 =	vor.u32 v7, v5;
	v9 =	vand.u32 $0x1C00, v9  }
0x13f: {  	v5 =	vor.u32 v13, v5;
	v3 =	vor.u32 v3, v6;
	v14 =	vshll.u32 v4, $0x3;
	v17 =	vld.idx.msk [tilespmem:v0+s10+$0x0], $0xffff  }
0x140: {  	v16 =	vshrl.u32 v4, $0x3;
	v4 =	vand.u32 $0xFFFFE07F, v4;
	v0 =	vor.u32 v10, v12;
	v12 =	vld [tilespmem:s24+$0xFFFFFFA0]  }
0x141: {  	v18 =	vld [tilespmem:s24+$0xFFFFFFF0];
	v14 =	vand.u32 $0x1C00, v14;
	v10 =	vand.u32 $0x380, v16;
	v16 =	vand.u32 $0xFFFFE07F, v60  }
0x142: {  	v13 =	vld [tilespmem:s24+$0xFFFFFFE0];
	v4 =	vor.u32 v14, v4;
	v14 =	vshrl.u32 v15, $0x3;
	v15 =	vand.u32 $0xFFFFE07F, v15  }
0x143: {  	v14 =	vand.u32 $0x380, v14;
	v9 =	vor.u32 v9, v15;
	v15 =	vld.idx.msk [tilespmem:v1+s10+$0x0], $0xffff;
	v1 =	vor.u32 v11, v8  }
0x144: {  	v8 =	vld [tilespmem:s24+$0xFFFFFFC0];
	v4 =	vor.u32 v10, v4;
	v7 =	vor.u32 v14, v9;
	v2 =	vor.u32 v2, v1  }
0x145: {  	v62 =	vld.idx.msk [tilespmem:v3+s10+$0x0], $0xffff;
	v14 =	vshll.u32 v60, $0x3;
	v1 =	vshll.u32 v12, $0x3;
	v6 =	vshrl.u32 v12, $0x3  }
0x146: {  	v10 =	vld.idx.msk [tilespmem:v0+s10+$0x0], $0xffff;
	v11 =	vand.u32 $0xFFFFE07F, v12;
	v12 =	vshrl.u32 v60, $0x3;
	v0 =	vand.u32 $0xFFFFE07F, v18  }
0x147: {  	s19 =	simm.s32 $0x1CBC0;
	v9 =	vld [tilespmem:s24+$0xFFFFFFB0];
	v14 =	vand.u32 $0x1C00, v14;
	v6 =	vand.u32 $0x380, v6;
	v20 =	vand.u32 $0x1C00, v1  }
0x148: {  	v1 =	vshll.u32 v18, $0x3;
	v12 =	vand.u32 $0x380, v12;
	v11 =	vor.u32 v20, v11;
	[tilespmem:s19+$0x30] =	vst v15;
	v15 =	vld.idx.msk [tilespmem:v5+s10+$0x0], $0xffff  }
0x149: {  	v18 =	vshrl.u32 v18, $0x3;
	v61 =	vshll.u32 v8, $0x3;
	v22 =	vor.u32 v6, v11;
	v7 =	vld.idx.msk [tilespmem:v7+s10+$0x0], $0xffff  }
0x14a: {  	v5 =	vand.u32 $0xFFFFE07F, v8;
	v11 =	vand.u32 $0xFFFFE07F, v13;
	v21 =	vld.idx.msk [tilespmem:v2+s10+$0x0], $0xffff;
	v2 =	vor.u32 v14, v16  }
0x14b: {  	[tilespmem:s19+$0xFFFFFFD0] =	vst v17;
	v3 =	vshrl.u32 v8, $0x3;
	v8 =	vshll.u32 v13, $0x3;
	v14 =	vld.idx.msk [tilespmem:v4+s10+$0x0], $0xffff;
	v12 =	vor.u32 v12, v2  }
0x14c: {  	[tilespmem:s19+$0xFFFFFFF0] =	vst v62;
	v6 =	vshll.u32 v9, $0x3;
	v4 =	vand.u32 $0x1C00, v61;
	v8 =	vand.u32 $0x1C00, v8  }
0x14d: {  	v3 =	vand.u32 $0x380, v3;
	[tilespmem:s19+$0x10] =	vst v10;
	v10 =	vshrl.u32 v13, $0x3;
	v8 =	vor.u32 v8, v11;
	v11 =	vld [tilespmem:s24+$0xFFFFFFD0]  }
0x14e: {  	v2 =	vand.u32 $0x1C00, v6;
	v6 =	vshrl.u32 v9, $0x3;
	[tilespmem:s19+$0x0] =	vst v7;
	v7 =	vand.u32 $0x380, v10  }
0x14f: {  	v13 =	vshll.u32 v19, $0x3;
	v6 =	vand.u32 $0x380, v6;
	[tilespmem:s19+$0xFFFFFFE0] =	vst v15;
	v7 =	vor.u32 v7, v8;
	v8 =	vld.idx.msk [tilespmem:v22+s10+$0x0], $0xffff  }
0x150: {  	s14 =	simm.s32 $0x8;
	v13 =	vand.u32 $0x1C00, v13;
	v10 =	vand.u32 $0xFFFFE07F, v9;
	[tilespmem:s19+$0xFFFFFFC0] =	vst v14;
	v14 =	vshrl.u32 v19, $0x3;
	v9 =	vld.idx.msk [tilespmem:v12+s10+$0x0], $0xffff  }
0x151: {  	s25 =	sadd.s32 $0x80, s21;
	s13 =	sadd.s32 $0x7D0, s4;
	s24 =	sadd.s32 $0x80, s24;
	v13 =	vor.u32 v13, v63;
	[tilespmem:s19+$0x20] =	vst v21;
	v12 =	vand.u32 $0x380, v14;
	v14 =	vand.u32 $0x380, v18  }
.LBB2_21:
0x152: {  	v15 =	vld [tilespmem:s24+$0xFFFFFFA0];
	s14 =	sadd.s32 $0x8, s14;
	v4 =	vor.u32 v4, v5;
	v5 =	vshll.u32 v11, $0x3;
	v16 =	vshrl.u32 v11, $0x3;
	s19 =	sadd.s32 $0x80, s19  }
0x153: {  	v11 =	vand.u32 $0xFFFFE07F, v11;
	v1 =	vand.u32 $0x1C00, v1;
	v17 =	vld [tilespmem:s24+$0x0];
	p2 =	slt.u32 s14, $0x70;
	v5 =	vand.u32 $0x1C00, v5  }
0x154: {  	v0 =	vor.u32 v1, v0;
	v18 =	vld [tilespmem:s24+$0xFFFFFFF0];
	[tilespmem:s19+$0xFFFFFFD0] =	vst v8;
	v8 =	vand.u32 $0x380, v16;
	v5 =	vor.u32 v5, v11  }
0x155: {  	v1 =	vor.u32 v2, v10;
	v11 =	vld [tilespmem:s24+$0xFFFFFFC0];
	v2 =	vor.u32 v8, v5;
	v5 =	vor.u32 v14, v0;
	[tilespmem:s19+$0x30] =	vst v9  }
0x156: {  	v3 =	vor.u32 v3, v4;
	v6 =	vor.u32 v6, v1;
	v9 =	vld [tilespmem:s24+$0xFFFFFFB0]  }
0x157: {  	v4 =	vor.u32 v12, v13;
	v1 =	vshll.u32 v15, $0x3;
	v0 =	vshrl.u32 v15, $0x3;
	v7 =	vld.idx.msk [tilespmem:v7+s10+$0x0], $0xffff  }
0x158: {  	v10 =	vand.u32 $0xFFFFE07F, v15;
	v8 =	vand.u32 $0x380, v0;
	v12 =	vld [tilespmem:s24+$0xFFFFFFE0];
	v13 =	vshrl.u32 v17, $0x3  }
0x159: {  	v15 =	vshll.u32 v17, $0x3;
	v16 =	vand.u32 $0xFFFFE07F, v17;
	v14 =	vld [tilespmem:s25+$0x0];
	v0 =	vand.u32 $0xFFFFE07F, v18  }
0x15a: {  	v17 =	vand.u32 $0x1C00, v1;
	v1 =	vshll.u32 v18, $0x3;
	v13 =	vand.u32 $0x380, v13;
	v19 =	vld.idx.msk [tilespmem:v2+s10+$0x0], $0xffff  }
0x15b: {  	v15 =	vand.u32 $0x1C00, v15;
	v2 =	vor.u32 v17, v10;
	v10 =	vshll.u32 v11, $0x3;
	v17 =	vld.idx.msk [tilespmem:v5+s10+$0x0], $0xffff  }
0x15c: {  	v18 =	vshrl.u32 v18, $0x3;
	v8 =	vor.u32 v8, v2;
	v2 =	vor.u32 v15, v16;
	v15 =	vld.idx.msk [tilespmem:v4+s10+$0x0], $0xffff  }
0x15d: {  	v5 =	vshll.u32 v9, $0x3;
	v4 =	vand.u32 $0x1C00, v10;
	v13 =	vor.u32 v13, v2;
	v16 =	vld.idx.msk [tilespmem:v6+s10+$0x0], $0xffff;
	[tilespmem:s19+$0x10] =	vst v7  }
0x15e: {  	v2 =	vand.u32 $0x1C00, v5;
	v5 =	vand.u32 $0xFFFFE07F, v11;
	v7 =	vand.u32 $0xFFFFE07F, v12;
	v20 =	vld.idx.msk [tilespmem:v3+s10+$0x0], $0xffff  }
0x15f: {  	v6 =	vshrl.u32 v9, $0x3;
	v10 =	vshll.u32 v12, $0x3;
	v3 =	vshrl.u32 v11, $0x3  }
.Ltmp9:
0x160: {  	v12 =	vshrl.u32 v12, $0x3;
	v10 =	vand.u32 $0x1C00, v10;
	v3 =	vand.u32 $0x380, v3;
	v11 =	vld [tilespmem:s24+$0xFFFFFFD0];
	[tilespmem:s19+$0x0] =	vst v19;
	(pc) =	sbr.rel @p2 .LBB2_21-.Ltmp9, $4  }
0x161: {  	v6 =	vand.u32 $0x380, v6;
	v12 =	vand.u32 $0x380, v12;
	v7 =	vor.u32 v10, v7;
	v8 =	vld.idx.msk [tilespmem:v8+s10+$0x0], $0xffff;
	[tilespmem:s19+$0x20] =	vst v17  }
0x162: {  	v10 =	vand.u32 $0xFFFFE07F, v9;
	v7 =	vor.u32 v12, v7;
	v17 =	vshll.u32 v14, $0x3;
	v9 =	vld.idx.msk [tilespmem:v13+s10+$0x0], $0xffff;
	[tilespmem:s19+$0xFFFFFFC0] =	vst v15  }
0x163: {  	v12 =	vshrl.u32 v14, $0x3;
	v14 =	vand.u32 $0xFFFFE07F, v14;
	v13 =	vand.u32 $0x1C00, v17;
	[tilespmem:s19+$0xFFFFFFE0] =	vst v16  }
0x164: {  	s25 =	sadd.s32 $0x80, s25;
	s24 =	sadd.s32 $0x80, s24;
	v12 =	vand.u32 $0x380, v12;
	v13 =	vor.u32 v13, v14;
	v14 =	vand.u32 $0x380, v18;
	[tilespmem:s19+$0xFFFFFFF0] =	vst v20  }
0x165: {  	v15 =	vshll.u32 v11, $0x3;
	v16 =	vshrl.u32 v11, $0x3  }
0x166: {  	v58 =	vand.u32 $0xFFFFE07F, v11;
	v2 =	vor.u32 v2, v10;
	v61 =	vor.u32 v12, v13  }
0x167: {  	v1 =	vand.u32 $0x1C00, v1;
	v4 =	vor.u32 v4, v5;
	v2 =	vor.u32 v6, v2  }
0x168: {  	v15 =	vand.u32 $0x1C00, v15;
	v0 =	vor.u32 v1, v0;
	v3 =	vor.u32 v3, v4  }
0x169: {  	v59 =	vand.u32 $0x380, v16;
	v11 =	vor.u32 v15, v58;
	v0 =	vor.u32 v14, v0  }
0x16a: {  	v62 =	vld.idx.msk [tilespmem:v7+s10+$0x0], $0xffff;
	v60 =	vor.u32 v59, v11  }
0x16b: {  	v63 =	vld.idx.msk [tilespmem:v61+s10+$0x0], $0xffff  }
0x16c: {  	s14 =	sadd.s32 $0x80, s19;
	v2 =	vld.idx.msk [tilespmem:v2+s10+$0x0], $0xffff  }
0x16d: {  	[tilespmem:s14+$0xFFFFFFD0] =	vst v8;
	v3 =	vld.idx.msk [tilespmem:v3+s10+$0x0], $0xffff  }
0x16e: {  	[tilespmem:s14+$0x30] =	vst v9;
	v0 =	vld.idx.msk [tilespmem:v0+s10+$0x0], $0xffff  }
0x16f: {  	[tilespmem:s14+$0x10] =	vst v62;
	v1 =	vld.idx.msk [tilespmem:v60+s10+$0x0], $0xffff  }
0x170: {  	[tilespmem:s14+$0xFFFFFFC0] =	vst v63  }
0x171: {  	[tilespmem:s14+$0xFFFFFFE0] =	vst v2  }
0x172: {  	[tilespmem:s14+$0xFFFFFFF0] =	vst v3  }
0x173: {  	[tilespmem:s14+$0x20] =	vst v0  }
0x174: {  	[tilespmem:s14+$0x0] =	vst v1;
	s14 =	simm.s32 $0x0  }
.LBB2_23:
0x175: {  	s19 =	sshra.s32 s14, $0x2  }
0x176: {  	s21 =	sadd.s32 s19, s2  }
0x177: {  	v0 =	vld [tilespmem:s21+$0x0];
	_ =	sdelay $0x4  }
0x178: {  	v1 =	vshll.u32 v0, $0x3  }
0x179: {  	v2 =	vshrl.u32 v0, $0x3;
	v0 =	vand.u32 $0xFFFFE07F, v0;
	v1 =	vand.u32 $0x1C00, v1  }
0x17a: {  	v2 =	vand.u32 $0x380, v2;
	v0 =	vor.u32 v1, v0  }
0x17b: {  	v0 =	vor.u32 v2, v0;
	_ =	sdelay $0x4  }
0x17c: {  	p2 =	sne.s32 s14, $0x100;
	v0 =	vld.idx.msk [tilespmem:v0+s10+$0x0], $0xffff  }
.Ltmp10:
0x17d: {  	_ = 	snop;
	(pc) =	sbr.rel @p2 .LBB2_23-.Ltmp10, $2  }
0x17e: {  	_ =	sdelay $0x2  }
0x17f: {  	s14 =	sadd.s32 $0x40, s14;
	[tilespmem:s19+$0x1D300] =	vst v0  }
0x180: {  	s13 =	sshrl.u32 s13, $0x3  }
0x181: {  	s14 =	simm.s32 $0x1CB80;
	s13 =	sadd.s32 s1, s13  }
0x182: {  	[hbm4b:s13+s3] =	stream.linear.scatter [tilespmem:s14], [sflag:$0x2], $0x7D0, $0x38;
	[tilespmem:$0x1F380] =	vst v63  }
0x183: {  	s13 =	simm.s32 @!p1 $0x3  }
0x184: {  	_ =	swait.ge @!p1 [sflag:s13], $0x7D0  }
0x185: {  	[sflag:s13] =	ssyncset.done @!p1 $0x0  }
0x186: {  	[sflag:s13] =	ssyncadd.s32 @!p1 $0xFFFFF830  }
0x187: {  	v0 =	vld [tilespmem:s9+$0xFFFFFFA0]  }
0x188: {  	v1 =	vld [tilespmem:s9+$0x0]  }
0x189: {  	v2 =	vld [tilespmem:s9+$0xFFFFFFF0]  }
0x18a: {  	v10 =	vld [tilespmem:s9+$0xFFFFFFE0]  }
0x18b: {  	s19 =	sadd.s32 $0x80, s17;
	v5 =	vld [tilespmem:s9+$0xFFFFFFB0]  }
0x18c: {  	v19 =	vld [tilespmem:s19+$0x0];
	v4 =	vshrl.u32 v0, $0x3  }
0x18d: {  	v6 =	vshll.u32 v0, $0x3;
	v0 =	vand.u32 $0xFFFFE07F, v0;
	v7 =	vshrl.u32 v1, $0x3  }
0x18e: {  	v8 =	vand.u32 $0xFFFFE07F, v2;
	v9 =	vshll.u32 v1, $0x3;
	v1 =	vand.u32 $0xFFFFE07F, v1  }
0x18f: {  	v3 =	vld [tilespmem:s9+$0xFFFFFFC0];
	v11 =	vshll.u32 v2, $0x3;
	v2 =	vshrl.u32 v2, $0x3;
	v12 =	vand.u32 $0xFFFFE07F, v10  }
0x190: {  	v13 =	vshrl.u32 v5, $0x3;
	v14 =	vshll.u32 v10, $0x3;
	v10 =	vshrl.u32 v10, $0x3  }
0x191: {  	v63 =	vand.u32 $0xFFFFE07F, v19;
	v4 =	vand.u32 $0x380, v4;
	v6 =	vand.u32 $0x1C00, v6  }
0x192: {  	v7 =	vand.u32 $0x380, v7;
	v9 =	vand.u32 $0x1C00, v9;
	v14 =	vand.u32 $0x1C00, v14  }
0x193: {  	v15 =	vld [tilespmem:s9+$0xFFFFFFD0];
	v13 =	vand.u32 $0x380, v13;
	v10 =	vand.u32 $0x380, v10;
	v2 =	vand.u32 $0x380, v2  }
0x194: {  	v11 =	vand.u32 $0x1C00, v11;
	v0 =	vor.u32 v6, v0;
	v6 =	vshll.u32 v3, $0x3  }
0x195: {  	v1 =	vor.u32 v9, v1;
	v9 =	vshll.u32 v5, $0x3;
	v0 =	vor.u32 v4, v0;
	v4 =	vld [tilespmem:s17+$0x0]  }
0x196: {  	s24 =	sadd.s32 $0x80, s9;
	v12 =	vor.u32 v14, v12;
	v5 =	vand.u32 $0xFFFFE07F, v5;
	v6 =	vand.u32 $0x1C00, v6  }
0x197: {  	v60 =	vld [tilespmem:s24+$0x0];
	v1 =	vor.u32 v7, v1;
	v7 =	vand.u32 $0x1C00, v9;
	v9 =	vand.u32 $0xFFFFE07F, v3  }
0x198: {  	v3 =	vshrl.u32 v3, $0x3;
	v6 =	vor.u32 v6, v9;
	v9 =	vshll.u32 v15, $0x3  }
0x199: {  	v3 =	vand.u32 $0x380, v3;
	v5 =	vor.u32 v7, v5;
	v9 =	vand.u32 $0x1C00, v9  }
0x19a: {  	v5 =	vor.u32 v13, v5;
	v3 =	vor.u32 v3, v6;
	v14 =	vshll.u32 v4, $0x3;
	v17 =	vld.idx.msk [tilespmem:v0+s10+$0x0], $0xffff  }
0x19b: {  	v16 =	vshrl.u32 v4, $0x3;
	v4 =	vand.u32 $0xFFFFE07F, v4;
	v0 =	vor.u32 v10, v12;
	v12 =	vld [tilespmem:s24+$0xFFFFFFA0]  }
0x19c: {  	v18 =	vld [tilespmem:s24+$0xFFFFFFF0];
	v14 =	vand.u32 $0x1C00, v14;
	v10 =	vand.u32 $0x380, v16;
	v16 =	vand.u32 $0xFFFFE07F, v60  }
0x19d: {  	v13 =	vld [tilespmem:s24+$0xFFFFFFE0];
	v4 =	vor.u32 v14, v4;
	v14 =	vshrl.u32 v15, $0x3;
	v15 =	vand.u32 $0xFFFFE07F, v15  }
0x19e: {  	v14 =	vand.u32 $0x380, v14;
	v9 =	vor.u32 v9, v15;
	v15 =	vld.idx.msk [tilespmem:v1+s10+$0x0], $0xffff;
	v1 =	vor.u32 v11, v8  }
0x19f: {  	v8 =	vld [tilespmem:s24+$0xFFFFFFC0];
	v4 =	vor.u32 v10, v4;
	v7 =	vor.u32 v14, v9;
	v2 =	vor.u32 v2, v1  }
0x1a0: {  	v62 =	vld.idx.msk [tilespmem:v3+s10+$0x0], $0xffff;
	v14 =	vshll.u32 v60, $0x3;
	v1 =	vshll.u32 v12, $0x3;
	v6 =	vshrl.u32 v12, $0x3  }
0x1a1: {  	v10 =	vld.idx.msk [tilespmem:v0+s10+$0x0], $0xffff;
	v11 =	vand.u32 $0xFFFFE07F, v12;
	v12 =	vshrl.u32 v60, $0x3;
	v0 =	vand.u32 $0xFFFFE07F, v18  }
0x1a2: {  	s17 =	simm.s32 $0x1D3C0;
	v9 =	vld [tilespmem:s24+$0xFFFFFFB0];
	v14 =	vand.u32 $0x1C00, v14;
	v6 =	vand.u32 $0x380, v6;
	v20 =	vand.u32 $0x1C00, v1  }
0x1a3: {  	v1 =	vshll.u32 v18, $0x3;
	v12 =	vand.u32 $0x380, v12;
	v11 =	vor.u32 v20, v11;
	[tilespmem:s17+$0x30] =	vst v15;
	v15 =	vld.idx.msk [tilespmem:v5+s10+$0x0], $0xffff  }
0x1a4: {  	v18 =	vshrl.u32 v18, $0x3;
	v61 =	vshll.u32 v8, $0x3;
	v22 =	vor.u32 v6, v11;
	v7 =	vld.idx.msk [tilespmem:v7+s10+$0x0], $0xffff  }
0x1a5: {  	v5 =	vand.u32 $0xFFFFE07F, v8;
	v11 =	vand.u32 $0xFFFFE07F, v13;
	v21 =	vld.idx.msk [tilespmem:v2+s10+$0x0], $0xffff;
	v2 =	vor.u32 v14, v16  }
0x1a6: {  	[tilespmem:s17+$0xFFFFFFD0] =	vst v17;
	v3 =	vshrl.u32 v8, $0x3;
	v8 =	vshll.u32 v13, $0x3;
	v14 =	vld.idx.msk [tilespmem:v4+s10+$0x0], $0xffff;
	v12 =	vor.u32 v12, v2  }
0x1a7: {  	[tilespmem:s17+$0xFFFFFFF0] =	vst v62;
	v6 =	vshll.u32 v9, $0x3;
	v4 =	vand.u32 $0x1C00, v61;
	v8 =	vand.u32 $0x1C00, v8  }
0x1a8: {  	v3 =	vand.u32 $0x380, v3;
	[tilespmem:s17+$0x10] =	vst v10;
	v10 =	vshrl.u32 v13, $0x3;
	v8 =	vor.u32 v8, v11;
	v11 =	vld [tilespmem:s24+$0xFFFFFFD0]  }
0x1a9: {  	v2 =	vand.u32 $0x1C00, v6;
	v6 =	vshrl.u32 v9, $0x3;
	[tilespmem:s17+$0x0] =	vst v7;
	v7 =	vand.u32 $0x380, v10  }
0x1aa: {  	v13 =	vshll.u32 v19, $0x3;
	v6 =	vand.u32 $0x380, v6;
	[tilespmem:s17+$0xFFFFFFE0] =	vst v15;
	v7 =	vor.u32 v7, v8;
	v8 =	vld.idx.msk [tilespmem:v22+s10+$0x0], $0xffff  }
0x1ab: {  	s14 =	simm.s32 $0x8;
	v13 =	vand.u32 $0x1C00, v13;
	v10 =	vand.u32 $0xFFFFE07F, v9;
	[tilespmem:s17+$0xFFFFFFC0] =	vst v14;
	v14 =	vshrl.u32 v19, $0x3;
	v9 =	vld.idx.msk [tilespmem:v12+s10+$0x0], $0xffff  }
0x1ac: {  	s13 =	sadd.s32 $0xFA0, s4;
	s19 =	sadd.s32 $0x80, s19;
	s24 =	sadd.s32 $0x80, s24;
	v13 =	vor.u32 v13, v63;
	[tilespmem:s17+$0x20] =	vst v21;
	v12 =	vand.u32 $0x380, v14;
	v14 =	vand.u32 $0x380, v18  }
.LBB2_25:
0x1ad: {  	v15 =	vld [tilespmem:s24+$0xFFFFFFA0];
	s14 =	sadd.s32 $0x8, s14;
	v4 =	vor.u32 v4, v5;
	v5 =	vshll.u32 v11, $0x3;
	v16 =	vshrl.u32 v11, $0x3;
	s17 =	sadd.s32 $0x80, s17  }
0x1ae: {  	v11 =	vand.u32 $0xFFFFE07F, v11;
	v1 =	vand.u32 $0x1C00, v1;
	v17 =	vld [tilespmem:s24+$0x0];
	p2 =	slt.u32 s14, $0x70;
	v5 =	vand.u32 $0x1C00, v5  }
0x1af: {  	v0 =	vor.u32 v1, v0;
	v18 =	vld [tilespmem:s24+$0xFFFFFFF0];
	[tilespmem:s17+$0xFFFFFFD0] =	vst v8;
	v8 =	vand.u32 $0x380, v16;
	v5 =	vor.u32 v5, v11  }
0x1b0: {  	v1 =	vor.u32 v2, v10;
	v11 =	vld [tilespmem:s24+$0xFFFFFFC0];
	v2 =	vor.u32 v8, v5;
	v5 =	vor.u32 v14, v0;
	[tilespmem:s17+$0x30] =	vst v9  }
0x1b1: {  	v3 =	vor.u32 v3, v4;
	v6 =	vor.u32 v6, v1;
	v9 =	vld [tilespmem:s24+$0xFFFFFFB0]  }
0x1b2: {  	v4 =	vor.u32 v12, v13;
	v1 =	vshll.u32 v15, $0x3;
	v0 =	vshrl.u32 v15, $0x3;
	v7 =	vld.idx.msk [tilespmem:v7+s10+$0x0], $0xffff  }
0x1b3: {  	v10 =	vand.u32 $0xFFFFE07F, v15;
	v8 =	vand.u32 $0x380, v0;
	v12 =	vld [tilespmem:s24+$0xFFFFFFE0];
	v13 =	vshrl.u32 v17, $0x3  }
0x1b4: {  	v15 =	vshll.u32 v17, $0x3;
	v16 =	vand.u32 $0xFFFFE07F, v17;
	v14 =	vld [tilespmem:s19+$0x0];
	v0 =	vand.u32 $0xFFFFE07F, v18  }
0x1b5: {  	v17 =	vand.u32 $0x1C00, v1;
	v1 =	vshll.u32 v18, $0x3;
	v13 =	vand.u32 $0x380, v13;
	v19 =	vld.idx.msk [tilespmem:v2+s10+$0x0], $0xffff  }
0x1b6: {  	v15 =	vand.u32 $0x1C00, v15;
	v2 =	vor.u32 v17, v10;
	v10 =	vshll.u32 v11, $0x3;
	v17 =	vld.idx.msk [tilespmem:v5+s10+$0x0], $0xffff  }
0x1b7: {  	v18 =	vshrl.u32 v18, $0x3;
	v8 =	vor.u32 v8, v2;
	v2 =	vor.u32 v15, v16;
	v15 =	vld.idx.msk [tilespmem:v4+s10+$0x0], $0xffff  }
0x1b8: {  	v5 =	vshll.u32 v9, $0x3;
	v4 =	vand.u32 $0x1C00, v10;
	v13 =	vor.u32 v13, v2;
	v16 =	vld.idx.msk [tilespmem:v6+s10+$0x0], $0xffff;
	[tilespmem:s17+$0x10] =	vst v7  }
0x1b9: {  	v2 =	vand.u32 $0x1C00, v5;
	v5 =	vand.u32 $0xFFFFE07F, v11;
	v7 =	vand.u32 $0xFFFFE07F, v12;
	v20 =	vld.idx.msk [tilespmem:v3+s10+$0x0], $0xffff  }
0x1ba: {  	v6 =	vshrl.u32 v9, $0x3;
	v10 =	vshll.u32 v12, $0x3;
	v3 =	vshrl.u32 v11, $0x3  }
.Ltmp11:
0x1bb: {  	v12 =	vshrl.u32 v12, $0x3;
	v10 =	vand.u32 $0x1C00, v10;
	v3 =	vand.u32 $0x380, v3;
	v11 =	vld [tilespmem:s24+$0xFFFFFFD0];
	[tilespmem:s17+$0x0] =	vst v19;
	(pc) =	sbr.rel @p2 .LBB2_25-.Ltmp11, $4  }
0x1bc: {  	v6 =	vand.u32 $0x380, v6;
	v12 =	vand.u32 $0x380, v12;
	v7 =	vor.u32 v10, v7;
	v8 =	vld.idx.msk [tilespmem:v8+s10+$0x0], $0xffff;
	[tilespmem:s17+$0x20] =	vst v17  }
0x1bd: {  	v10 =	vand.u32 $0xFFFFE07F, v9;
	v7 =	vor.u32 v12, v7;
	v17 =	vshll.u32 v14, $0x3;
	v9 =	vld.idx.msk [tilespmem:v13+s10+$0x0], $0xffff;
	[tilespmem:s17+$0xFFFFFFC0] =	vst v15  }
0x1be: {  	v12 =	vshrl.u32 v14, $0x3;
	v14 =	vand.u32 $0xFFFFE07F, v14;
	v13 =	vand.u32 $0x1C00, v17;
	[tilespmem:s17+$0xFFFFFFE0] =	vst v16  }
0x1bf: {  	s19 =	sadd.s32 $0x80, s19;
	s24 =	sadd.s32 $0x80, s24;
	v12 =	vand.u32 $0x380, v12;
	v13 =	vor.u32 v13, v14;
	v14 =	vand.u32 $0x380, v18;
	[tilespmem:s17+$0xFFFFFFF0] =	vst v20  }
0x1c0: {  	v15 =	vshll.u32 v11, $0x3;
	v16 =	vshrl.u32 v11, $0x3  }
0x1c1: {  	v58 =	vand.u32 $0xFFFFE07F, v11;
	v2 =	vor.u32 v2, v10;
	v61 =	vor.u32 v12, v13  }
0x1c2: {  	v1 =	vand.u32 $0x1C00, v1;
	v4 =	vor.u32 v4, v5;
	v2 =	vor.u32 v6, v2  }
0x1c3: {  	v15 =	vand.u32 $0x1C00, v15;
	v0 =	vor.u32 v1, v0;
	v3 =	vor.u32 v3, v4  }
0x1c4: {  	v59 =	vand.u32 $0x380, v16;
	v11 =	vor.u32 v15, v58;
	v0 =	vor.u32 v14, v0  }
0x1c5: {  	v62 =	vld.idx.msk [tilespmem:v7+s10+$0x0], $0xffff;
	v60 =	vor.u32 v59, v11  }
0x1c6: {  	v63 =	vld.idx.msk [tilespmem:v61+s10+$0x0], $0xffff  }
0x1c7: {  	s14 =	sadd.s32 $0x80, s17;
	v2 =	vld.idx.msk [tilespmem:v2+s10+$0x0], $0xffff  }
0x1c8: {  	[tilespmem:s14+$0xFFFFFFD0] =	vst v8;
	v3 =	vld.idx.msk [tilespmem:v3+s10+$0x0], $0xffff  }
0x1c9: {  	[tilespmem:s14+$0x30] =	vst v9;
	v0 =	vld.idx.msk [tilespmem:v0+s10+$0x0], $0xffff  }
0x1ca: {  	[tilespmem:s14+$0x10] =	vst v62;
	v1 =	vld.idx.msk [tilespmem:v60+s10+$0x0], $0xffff  }
0x1cb: {  	[tilespmem:s14+$0xFFFFFFC0] =	vst v63  }
0x1cc: {  	[tilespmem:s14+$0xFFFFFFE0] =	vst v2  }
0x1cd: {  	[tilespmem:s14+$0xFFFFFFF0] =	vst v3  }
0x1ce: {  	[tilespmem:s14+$0x20] =	vst v0  }
0x1cf: {  	[tilespmem:s14+$0x0] =	vst v1;
	s14 =	simm.s32 $0x0  }
.LBB2_27:
0x1d0: {  	s17 =	sshra.s32 s14, $0x2  }
0x1d1: {  	s19 =	sadd.s32 s17, s23  }
0x1d2: {  	v0 =	vld [tilespmem:s19+$0x0];
	_ =	sdelay $0x4  }
0x1d3: {  	v1 =	vshll.u32 v0, $0x3  }
0x1d4: {  	v2 =	vshrl.u32 v0, $0x3;
	v0 =	vand.u32 $0xFFFFE07F, v0;
	v1 =	vand.u32 $0x1C00, v1  }
0x1d5: {  	v2 =	vand.u32 $0x380, v2;
	v0 =	vor.u32 v1, v0  }
0x1d6: {  	v0 =	vor.u32 v2, v0;
	_ =	sdelay $0x4  }
0x1d7: {  	p2 =	sne.s32 s14, $0x100;
	v0 =	vld.idx.msk [tilespmem:v0+s10+$0x0], $0xffff  }
.Ltmp12:
0x1d8: {  	_ = 	snop;
	(pc) =	sbr.rel @p2 .LBB2_27-.Ltmp12, $2  }
0x1d9: {  	_ =	sdelay $0x2  }
0x1da: {  	s14 =	sadd.s32 $0x40, s14;
	[tilespmem:s17+$0x1DB00] =	vst v0  }
0x1db: {  	s13 =	sshrl.u32 s13, $0x3  }
0x1dc: {  	s13 =	sadd.s32 s1, s13  }
0x1dd: {  	[hbm4b:s13+s3] =	stream.linear.scatter [tilespmem:s11], [sflag:$0x3], $0x7D0, $0x38;
	[tilespmem:$0x1F380] =	vst v63  }
0x1de: {  	s13 =	simm.s32 @!p1 $0x4  }
0x1df: {  	_ =	swait.ge @!p1 [sflag:s13], $0x7D0  }
0x1e0: {  	[sflag:s13] =	ssyncset.done @!p1 $0x0  }
0x1e1: {  	[sflag:s13] =	ssyncadd.s32 @!p1 $0xFFFFF830  }
0x1e2: {  	v0 =	vld [tilespmem:s16+$0xFFFFFFA0]  }
0x1e3: {  	v1 =	vld [tilespmem:s16+$0x0]  }
0x1e4: {  	v2 =	vld [tilespmem:s16+$0xFFFFFFF0]  }
0x1e5: {  	v10 =	vld [tilespmem:s16+$0xFFFFFFE0]  }
0x1e6: {  	s14 =	sadd.s32 $0x80, s6;
	v5 =	vld [tilespmem:s16+$0xFFFFFFB0]  }
0x1e7: {  	v19 =	vld [tilespmem:s14+$0x0];
	v4 =	vshrl.u32 v0, $0x3  }
0x1e8: {  	v6 =	vshll.u32 v0, $0x3;
	v0 =	vand.u32 $0xFFFFE07F, v0;
	v7 =	vshrl.u32 v1, $0x3  }
0x1e9: {  	v8 =	vand.u32 $0xFFFFE07F, v2;
	v9 =	vshll.u32 v1, $0x3;
	v1 =	vand.u32 $0xFFFFE07F, v1  }
0x1ea: {  	v3 =	vld [tilespmem:s16+$0xFFFFFFC0];
	v11 =	vshll.u32 v2, $0x3;
	v2 =	vshrl.u32 v2, $0x3;
	v12 =	vand.u32 $0xFFFFE07F, v10  }
0x1eb: {  	v13 =	vshrl.u32 v5, $0x3;
	v14 =	vshll.u32 v10, $0x3;
	v10 =	vshrl.u32 v10, $0x3  }
0x1ec: {  	v63 =	vand.u32 $0xFFFFE07F, v19;
	v4 =	vand.u32 $0x380, v4;
	v6 =	vand.u32 $0x1C00, v6  }
0x1ed: {  	v7 =	vand.u32 $0x380, v7;
	v9 =	vand.u32 $0x1C00, v9;
	v14 =	vand.u32 $0x1C00, v14  }
0x1ee: {  	v15 =	vld [tilespmem:s16+$0xFFFFFFD0];
	v13 =	vand.u32 $0x380, v13;
	v10 =	vand.u32 $0x380, v10;
	v2 =	vand.u32 $0x380, v2  }
0x1ef: {  	v11 =	vand.u32 $0x1C00, v11;
	v0 =	vor.u32 v6, v0;
	v6 =	vshll.u32 v3, $0x3  }
0x1f0: {  	v1 =	vor.u32 v9, v1;
	v9 =	vshll.u32 v5, $0x3;
	v0 =	vor.u32 v4, v0;
	v4 =	vld [tilespmem:s6+$0x0]  }
0x1f1: {  	s17 =	sadd.s32 $0x80, s16;
	v12 =	vor.u32 v14, v12;
	v5 =	vand.u32 $0xFFFFE07F, v5;
	v6 =	vand.u32 $0x1C00, v6  }
0x1f2: {  	v60 =	vld [tilespmem:s17+$0x0];
	v1 =	vor.u32 v7, v1;
	v7 =	vand.u32 $0x1C00, v9;
	v9 =	vand.u32 $0xFFFFE07F, v3  }
0x1f3: {  	v3 =	vshrl.u32 v3, $0x3;
	v6 =	vor.u32 v6, v9;
	v9 =	vshll.u32 v15, $0x3  }
0x1f4: {  	v3 =	vand.u32 $0x380, v3;
	v5 =	vor.u32 v7, v5;
	v9 =	vand.u32 $0x1C00, v9  }
0x1f5: {  	v5 =	vor.u32 v13, v5;
	v3 =	vor.u32 v3, v6;
	v14 =	vshll.u32 v4, $0x3;
	v17 =	vld.idx.msk [tilespmem:v0+s10+$0x0], $0xffff  }
0x1f6: {  	v16 =	vshrl.u32 v4, $0x3;
	v4 =	vand.u32 $0xFFFFE07F, v4;
	v0 =	vor.u32 v10, v12;
	v12 =	vld [tilespmem:s17+$0xFFFFFFA0]  }
0x1f7: {  	v18 =	vld [tilespmem:s17+$0xFFFFFFF0];
	v14 =	vand.u32 $0x1C00, v14;
	v10 =	vand.u32 $0x380, v16;
	v16 =	vand.u32 $0xFFFFE07F, v60  }
0x1f8: {  	v13 =	vld [tilespmem:s17+$0xFFFFFFE0];
	v4 =	vor.u32 v14, v4;
	v14 =	vshrl.u32 v15, $0x3;
	v15 =	vand.u32 $0xFFFFE07F, v15  }
0x1f9: {  	v14 =	vand.u32 $0x380, v14;
	v9 =	vor.u32 v9, v15;
	v15 =	vld.idx.msk [tilespmem:v1+s10+$0x0], $0xffff;
	v1 =	vor.u32 v11, v8  }
0x1fa: {  	v8 =	vld [tilespmem:s17+$0xFFFFFFC0];
	v4 =	vor.u32 v10, v4;
	v7 =	vor.u32 v14, v9;
	v2 =	vor.u32 v2, v1  }
0x1fb: {  	v62 =	vld.idx.msk [tilespmem:v3+s10+$0x0], $0xffff;
	v14 =	vshll.u32 v60, $0x3;
	v1 =	vshll.u32 v12, $0x3;
	v6 =	vshrl.u32 v12, $0x3  }
0x1fc: {  	v10 =	vld.idx.msk [tilespmem:v0+s10+$0x0], $0xffff;
	v11 =	vand.u32 $0xFFFFE07F, v12;
	v12 =	vshrl.u32 v60, $0x3;
	v0 =	vand.u32 $0xFFFFE07F, v18  }
0x1fd: {  	s6 =	simm.s32 $0x1DBC0;
	v9 =	vld [tilespmem:s17+$0xFFFFFFB0];
	v14 =	vand.u32 $0x1C00, v14;
	v6 =	vand.u32 $0x380, v6;
	v20 =	vand.u32 $0x1C00, v1  }
0x1fe: {  	v1 =	vshll.u32 v18, $0x3;
	v12 =	vand.u32 $0x380, v12;
	v11 =	vor.u32 v20, v11;
	[tilespmem:s6+$0x30] =	vst v15;
	v15 =	vld.idx.msk [tilespmem:v5+s10+$0x0], $0xffff  }
0x1ff: {  	v18 =	vshrl.u32 v18, $0x3;
	v61 =	vshll.u32 v8, $0x3;
	v22 =	vor.u32 v6, v11;
	v7 =	vld.idx.msk [tilespmem:v7+s10+$0x0], $0xffff  }
0x200: {  	v5 =	vand.u32 $0xFFFFE07F, v8;
	v11 =	vand.u32 $0xFFFFE07F, v13;
	v21 =	vld.idx.msk [tilespmem:v2+s10+$0x0], $0xffff;
	v2 =	vor.u32 v14, v16  }
0x201: {  	[tilespmem:s6+$0xFFFFFFD0] =	vst v17;
	v3 =	vshrl.u32 v8, $0x3;
	v8 =	vshll.u32 v13, $0x3;
	v14 =	vld.idx.msk [tilespmem:v4+s10+$0x0], $0xffff;
	v12 =	vor.u32 v12, v2  }
0x202: {  	[tilespmem:s6+$0xFFFFFFF0] =	vst v62;
	v6 =	vshll.u32 v9, $0x3;
	v4 =	vand.u32 $0x1C00, v61;
	v8 =	vand.u32 $0x1C00, v8  }
0x203: {  	v3 =	vand.u32 $0x380, v3;
	[tilespmem:s6+$0x10] =	vst v10;
	v10 =	vshrl.u32 v13, $0x3;
	v8 =	vor.u32 v8, v11;
	v11 =	vld [tilespmem:s17+$0xFFFFFFD0]  }
0x204: {  	v2 =	vand.u32 $0x1C00, v6;
	v6 =	vshrl.u32 v9, $0x3;
	[tilespmem:s6+$0x0] =	vst v7;
	v7 =	vand.u32 $0x380, v10  }
0x205: {  	v13 =	vshll.u32 v19, $0x3;
	v6 =	vand.u32 $0x380, v6;
	[tilespmem:s6+$0xFFFFFFE0] =	vst v15;
	v7 =	vor.u32 v7, v8;
	v8 =	vld.idx.msk [tilespmem:v22+s10+$0x0], $0xffff  }
0x206: {  	s4 =	sadd.s32 $0x1770, s4;
	v13 =	vand.u32 $0x1C00, v13;
	v10 =	vand.u32 $0xFFFFE07F, v9;
	[tilespmem:s6+$0xFFFFFFC0] =	vst v14;
	v14 =	vshrl.u32 v19, $0x3;
	v9 =	vld.idx.msk [tilespmem:v12+s10+$0x0], $0xffff  }
0x207: {  	s13 =	simm.s32 $0x8;
	s14 =	sadd.s32 $0x80, s14;
	s17 =	sadd.s32 $0x80, s17;
	v13 =	vor.u32 v13, v63;
	[tilespmem:s6+$0x20] =	vst v21;
	v12 =	vand.u32 $0x380, v14;
	v14 =	vand.u32 $0x380, v18  }
.LBB2_29:
0x208: {  	v15 =	vld [tilespmem:s17+$0xFFFFFFA0];
	s13 =	sadd.s32 $0x8, s13;
	v4 =	vor.u32 v4, v5;
	v5 =	vshll.u32 v11, $0x3;
	v16 =	vshrl.u32 v11, $0x3;
	s6 =	sadd.s32 $0x80, s6  }
0x209: {  	v11 =	vand.u32 $0xFFFFE07F, v11;
	v1 =	vand.u32 $0x1C00, v1;
	v17 =	vld [tilespmem:s17+$0x0];
	p1 =	slt.u32 s13, $0x70;
	v5 =	vand.u32 $0x1C00, v5  }
0x20a: {  	v0 =	vor.u32 v1, v0;
	v18 =	vld [tilespmem:s17+$0xFFFFFFF0];
	[tilespmem:s6+$0xFFFFFFD0] =	vst v8;
	v8 =	vand.u32 $0x380, v16;
	v5 =	vor.u32 v5, v11  }
0x20b: {  	v1 =	vor.u32 v2, v10;
	v11 =	vld [tilespmem:s17+$0xFFFFFFC0];
	v2 =	vor.u32 v8, v5;
	v5 =	vor.u32 v14, v0;
	[tilespmem:s6+$0x30] =	vst v9  }
0x20c: {  	v3 =	vor.u32 v3, v4;
	v6 =	vor.u32 v6, v1;
	v9 =	vld [tilespmem:s17+$0xFFFFFFB0]  }
0x20d: {  	v4 =	vor.u32 v12, v13;
	v1 =	vshll.u32 v15, $0x3;
	v0 =	vshrl.u32 v15, $0x3;
	v7 =	vld.idx.msk [tilespmem:v7+s10+$0x0], $0xffff  }
0x20e: {  	v10 =	vand.u32 $0xFFFFE07F, v15;
	v8 =	vand.u32 $0x380, v0;
	v12 =	vld [tilespmem:s17+$0xFFFFFFE0];
	v13 =	vshrl.u32 v17, $0x3  }
0x20f: {  	v15 =	vshll.u32 v17, $0x3;
	v16 =	vand.u32 $0xFFFFE07F, v17;
	v14 =	vld [tilespmem:s14+$0x0];
	v0 =	vand.u32 $0xFFFFE07F, v18  }
0x210: {  	v17 =	vand.u32 $0x1C00, v1;
	v1 =	vshll.u32 v18, $0x3;
	v13 =	vand.u32 $0x380, v13;
	v19 =	vld.idx.msk [tilespmem:v2+s10+$0x0], $0xffff  }
0x211: {  	v15 =	vand.u32 $0x1C00, v15;
	v2 =	vor.u32 v17, v10;
	v10 =	vshll.u32 v11, $0x3;
	v17 =	vld.idx.msk [tilespmem:v5+s10+$0x0], $0xffff  }
0x212: {  	v18 =	vshrl.u32 v18, $0x3;
	v8 =	vor.u32 v8, v2;
	v2 =	vor.u32 v15, v16;
	v15 =	vld.idx.msk [tilespmem:v4+s10+$0x0], $0xffff  }
0x213: {  	v5 =	vshll.u32 v9, $0x3;
	v4 =	vand.u32 $0x1C00, v10;
	v13 =	vor.u32 v13, v2;
	v16 =	vld.idx.msk [tilespmem:v6+s10+$0x0], $0xffff;
	[tilespmem:s6+$0x10] =	vst v7  }
0x214: {  	v2 =	vand.u32 $0x1C00, v5;
	v5 =	vand.u32 $0xFFFFE07F, v11;
	v7 =	vand.u32 $0xFFFFE07F, v12;
	v20 =	vld.idx.msk [tilespmem:v3+s10+$0x0], $0xffff  }
0x215: {  	v6 =	vshrl.u32 v9, $0x3;
	v10 =	vshll.u32 v12, $0x3;
	v3 =	vshrl.u32 v11, $0x3  }
.Ltmp13:
0x216: {  	v12 =	vshrl.u32 v12, $0x3;
	v10 =	vand.u32 $0x1C00, v10;
	v3 =	vand.u32 $0x380, v3;
	v11 =	vld [tilespmem:s17+$0xFFFFFFD0];
	[tilespmem:s6+$0x0] =	vst v19;
	(pc) =	sbr.rel @p1 .LBB2_29-.Ltmp13, $4  }
0x217: {  	v6 =	vand.u32 $0x380, v6;
	v12 =	vand.u32 $0x380, v12;
	v7 =	vor.u32 v10, v7;
	v8 =	vld.idx.msk [tilespmem:v8+s10+$0x0], $0xffff;
	[tilespmem:s6+$0x20] =	vst v17  }
0x218: {  	v10 =	vand.u32 $0xFFFFE07F, v9;
	v7 =	vor.u32 v12, v7;
	v17 =	vshll.u32 v14, $0x3;
	v9 =	vld.idx.msk [tilespmem:v13+s10+$0x0], $0xffff;
	[tilespmem:s6+$0xFFFFFFC0] =	vst v15  }
0x219: {  	v12 =	vshrl.u32 v14, $0x3;
	v14 =	vand.u32 $0xFFFFE07F, v14;
	v13 =	vand.u32 $0x1C00, v17;
	[tilespmem:s6+$0xFFFFFFE0] =	vst v16  }
0x21a: {  	s14 =	sadd.s32 $0x80, s14;
	s17 =	sadd.s32 $0x80, s17;
	v12 =	vand.u32 $0x380, v12;
	v13 =	vor.u32 v13, v14;
	v14 =	vand.u32 $0x380, v18;
	[tilespmem:s6+$0xFFFFFFF0] =	vst v20  }
0x21b: {  	v15 =	vshll.u32 v11, $0x3;
	v16 =	vshrl.u32 v11, $0x3  }
0x21c: {  	v58 =	vand.u32 $0xFFFFE07F, v11;
	v2 =	vor.u32 v2, v10;
	v61 =	vor.u32 v12, v13  }
0x21d: {  	v1 =	vand.u32 $0x1C00, v1;
	v4 =	vor.u32 v4, v5;
	v2 =	vor.u32 v6, v2  }
0x21e: {  	v15 =	vand.u32 $0x1C00, v15;
	v0 =	vor.u32 v1, v0;
	v3 =	vor.u32 v3, v4  }
0x21f: {  	v59 =	vand.u32 $0x380, v16;
	v11 =	vor.u32 v15, v58;
	v0 =	vor.u32 v14, v0  }
0x220: {  	v62 =	vld.idx.msk [tilespmem:v7+s10+$0x0], $0xffff;
	v60 =	vor.u32 v59, v11  }
0x221: {  	v63 =	vld.idx.msk [tilespmem:v61+s10+$0x0], $0xffff  }
0x222: {  	s6 =	sadd.s32 $0x80, s6;
	v2 =	vld.idx.msk [tilespmem:v2+s10+$0x0], $0xffff  }
0x223: {  	[tilespmem:s6+$0xFFFFFFD0] =	vst v8;
	v3 =	vld.idx.msk [tilespmem:v3+s10+$0x0], $0xffff  }
0x224: {  	[tilespmem:s6+$0x30] =	vst v9;
	v0 =	vld.idx.msk [tilespmem:v0+s10+$0x0], $0xffff  }
0x225: {  	[tilespmem:s6+$0x10] =	vst v62;
	v1 =	vld.idx.msk [tilespmem:v60+s10+$0x0], $0xffff  }
0x226: {  	[tilespmem:s6+$0xFFFFFFC0] =	vst v63  }
0x227: {  	[tilespmem:s6+$0xFFFFFFE0] =	vst v2  }
0x228: {  	[tilespmem:s6+$0xFFFFFFF0] =	vst v3  }
0x229: {  	[tilespmem:s6+$0x20] =	vst v0  }
0x22a: {  	[tilespmem:s6+$0x0] =	vst v1;
	s6 =	simm.s32 $0x0  }
.LBB2_31:
0x22b: {  	s13 =	sshra.s32 s6, $0x2  }
0x22c: {  	s14 =	sadd.s32 s13, s5  }
0x22d: {  	v0 =	vld [tilespmem:s14+$0x0];
	_ =	sdelay $0x4  }
0x22e: {  	v1 =	vshll.u32 v0, $0x3  }
0x22f: {  	v2 =	vshrl.u32 v0, $0x3;
	v0 =	vand.u32 $0xFFFFE07F, v0;
	v1 =	vand.u32 $0x1C00, v1  }
0x230: {  	v2 =	vand.u32 $0x380, v2;
	v0 =	vor.u32 v1, v0  }
0x231: {  	v0 =	vor.u32 v2, v0;
	_ =	sdelay $0x4  }
0x232: {  	p1 =	sne.s32 s6, $0x100;
	v0 =	vld.idx.msk [tilespmem:v0+s10+$0x0], $0xffff  }
.Ltmp14:
0x233: {  	_ = 	snop;
	(pc) =	sbr.rel @p1 .LBB2_31-.Ltmp14, $2  }
0x234: {  	_ =	sdelay $0x2  }
0x235: {  	s6 =	sadd.s32 $0x40, s6;
	[tilespmem:s13+$0x1E300] =	vst v0  }
0x236: {  	s4 =	sshrl.u32 s4, $0x3;
	s22 =	sadd.s32 $0x1, s22  }
0x237: {  	s18 =	sadd.s32 $0x1F40, s18;
	p0 =	por !p0, !p0;
	s28 =	sadd.s32 $0x1F40, s28  }
0x238: {  	s29 =	sadd.s32 $0x1F40, s29;
	s30 =	sadd.s32 $0x1F40, s30;
	p1 =	sne.s32 s22, $0x6  }
.Ltmp15:
0x239: {  	s31 =	sadd.s32 $0x4, s31;
	s0 =	sadd.s32 $0x1F40, s0;
	(pc) =	sbr.rel @p1 .LBB2_16-.Ltmp15, $4  }
0x23a: {  	s2 =	sadd.s32 $0x1F40, s2;
	s7 =	sadd.s32 $0x1F40, s7;
	s8 =	sadd.s32 $0x2, s8  }
0x23b: {  	s9 =	sadd.s32 $0x1F40, s9;
	s23 =	sadd.s32 $0x1F40, s23;
	s15 =	sadd.s32 $0x1F40, s15  }
0x23c: {  	s16 =	sadd.s32 $0x1F40, s16;
	s5 =	sadd.s32 $0x1F40, s5;
	s4 =	sadd.s32 s1, s4  }
0x23d: {  	[hbm4b:s4+s3] =	stream.linear.scatter [tilespmem:s12], [sflag:$0x4], $0x7D0, $0x38;
	[tilespmem:$0x1F380] =	vst v63  }
0x23e: {  	s8 =	simm.s32 $0x1  }
0x23f: {  	_ =	swait.ge [sflag:s8], $0x7D0  }
0x240: {  	[sflag:s8] =	ssyncset.done $0x0  }
0x241: {  	s0 =	simm.s32 $0x0;
	[sflag:s8] =	ssyncadd.s32 $0xFFFFF830  }
0x242: {  	v0 =	vld [tilespmem:s0+$0xBBF0]  }
0x243: {  	v1 =	vld [tilespmem:s0+$0xBB80]  }
0x244: {  	v2 =	vld [tilespmem:s0+$0xBB90]  }
0x245: {  	v3 =	vld [tilespmem:s0+$0xBBA0]  }
0x246: {  	v5 =	vld [tilespmem:s0+$0xBBC0]  }
0x247: {  	v7 =	vld [tilespmem:s0+$0xBBD0]  }
0x248: {  	v10 =	vld [tilespmem:s0+$0xBBE0]  }
0x249: {  	v4 =	vld [tilespmem:s0+$0xBBB0]  }
0x24a: {  	v6 =	vshll.u32 v0, $0x3;
	v8 =	vshrl.u32 v0, $0x3;
	v0 =	vand.u32 $0xFFFFE07F, v0  }
0x24b: {  	v9 =	vshll.u32 v1, $0x3;
	v11 =	vshll.u32 v3, $0x3;
	v12 =	vshll.u32 v5, $0x3  }
0x24c: {  	v13 =	vshrl.u32 v1, $0x3;
	v14 =	vshll.u32 v7, $0x3;
	v1 =	vand.u32 $0xFFFFE07F, v1  }
0x24d: {  	v15 =	vshll.u32 v10, $0x3;
	v16 =	vshrl.u32 v2, $0x3;
	v17 =	vshrl.u32 v3, $0x3  }
0x24e: {  	v3 =	vand.u32 $0xFFFFE07F, v3;
	v18 =	vshrl.u32 v4, $0x3;
	v19 =	vshrl.u32 v5, $0x3  }
0x24f: {  	v5 =	vand.u32 $0xFFFFE07F, v5;
	v20 =	vshrl.u32 v7, $0x3;
	v7 =	vand.u32 $0xFFFFE07F, v7  }
0x250: {  	v21 =	vshrl.u32 v10, $0x3;
	v6 =	vand.u32 $0x1C00, v6;
	v8 =	vand.u32 $0x380, v8  }
0x251: {  	v11 =	vand.u32 $0x1C00, v11;
	v12 =	vand.u32 $0x1C00, v12;
	v14 =	vand.u32 $0x1C00, v14  }
0x252: {  	v15 =	vand.u32 $0x1C00, v15;
	v0 =	vor.u32 v6, v0;
	v6 =	vshll.u32 v2, $0x3  }
0x253: {  	v2 =	vand.u32 $0xFFFFE07F, v2;
	v3 =	vor.u32 v11, v3;
	v5 =	vor.u32 v12, v5  }
0x254: {  	v7 =	vor.u32 v14, v7;
	v11 =	vand.u32 $0x380, v16;
	v12 =	vand.u32 $0x380, v17  }
0x255: {  	s2 =	simm.s32 $0x80;
	v16 =	vand.u32 $0x380, v20;
	v17 =	vand.u32 $0x380, v21;
	v0 =	vor.u32 v8, v0  }
0x256: {  	v22 =	vld [tilespmem:s2+$0xBBD0];
	v8 =	vand.u32 $0x1C00, v9;
	v9 =	vshll.u32 v4, $0x3;
	v6 =	vand.u32 $0x1C00, v6  }
0x257: {  	v14 =	vld [tilespmem:s2+$0xBB90];
	v4 =	vand.u32 $0xFFFFE07F, v4;
	v3 =	vor.u32 v12, v3;
	v9 =	vand.u32 $0x1C00, v9  }
0x258: {  	v1 =	vor.u32 v8, v1;
	v2 =	vor.u32 v6, v2;
	v6 =	vand.u32 $0xFFFFE07F, v10;
	v8 =	vld [tilespmem:s2+$0xBBF0]  }
0x259: {  	v10 =	vld [tilespmem:s2+$0xBB80];
	v4 =	vor.u32 v9, v4;
	v9 =	vand.u32 $0x380, v13;
	v6 =	vor.u32 v15, v6  }
0x25a: {  	v20 =	vld [tilespmem:s2+$0xBBC0];
	v13 =	vand.u32 $0x380, v18;
	v15 =	vand.u32 $0x380, v19;
	v2 =	vor.u32 v11, v2  }
0x25b: {  	v18 =	vld [tilespmem:s2+$0xBBA0];
	v1 =	vor.u32 v9, v1;
	v9 =	vor.u32 v13, v4;
	v5 =	vor.u32 v15, v5  }
0x25c: {  	v19 =	vld [tilespmem:s2+$0xBBB0];
	v15 =	vor.u32 v16, v7;
	v21 =	vor.u32 v17, v6;
	v29 =	vand.u32 $0xFFFFE07F, v14  }
0x25d: {  	v26 =	vld.idx.msk [tilespmem:v3+s10+$0x0], $0xffff;
	v3 =	vshll.u32 v22, $0x3;
	v4 =	vshll.u32 v8, $0x3;
	v6 =	vshrl.u32 v8, $0x3  }
0x25e: {  	v23 =	vld [tilespmem:s2+$0xBBE0];
	v7 =	vand.u32 $0xFFFFE07F, v8;
	v8 =	vshll.u32 v10, $0x3;
	v4 =	vand.u32 $0x1C00, v4  }
0x25f: {  	v6 =	vand.u32 $0x380, v6;
	v24 =	vand.u32 $0x1C00, v8;
	v8 =	vld.idx.msk [tilespmem:v2+s10+$0x0], $0xffff;
	v4 =	vor.u32 v4, v7  }
0x260: {  	v28 =	vand.u32 $0xFFFFE07F, v10;
	v3 =	vand.u32 $0x1C00, v3;
	v7 =	vld.idx.msk [tilespmem:v0+s10+$0x0], $0xffff;
	v13 =	vor.u32 v6, v4  }
0x261: {  	v11 =	vshll.u32 v18, $0x3;
	v2 =	vshll.u32 v20, $0x3;
	v16 =	vand.u32 $0xFFFFE07F, v18;
	v17 =	vld.idx.msk [tilespmem:v1+s10+$0x0], $0xffff  }
0x262: {  	v12 =	vshrl.u32 v19, $0x3;
	v0 =	vshll.u32 v14, $0x3;
	v1 =	vand.u32 $0x1C00, v11;
	v27 =	vld.idx.msk [tilespmem:v9+s10+$0x0], $0xffff  }
0x263: {  	v2 =	vand.u32 $0x1C00, v2;
	v9 =	vshrl.u32 v14, $0x3;
	v5 =	vld.idx.msk [tilespmem:v5+s10+$0x0], $0xffff;
	v11 =	vshrl.u32 v18, $0x3  }
0x264: {  	v18 =	vand.u32 $0xFFFFE07F, v20;
	v14 =	vshrl.u32 v22, $0x3;
	v4 =	vshrl.u32 v10, $0x3;
	v10 =	vld.idx.msk [tilespmem:v21+s10+$0x0], $0xffff;
	[tilespmem:s0+$0x1C3A0] =	vst v26  }
0x265: {  	v25 =	vand.u32 $0x1C00, v0;
	v0 =	vshll.u32 v19, $0x3;
	v6 =	vshll.u32 v23, $0x3;
	[tilespmem:s0+$0x1C3F0] =	vst v7;
	v7 =	vld.idx.msk [tilespmem:v13+s10+$0x0], $0xffff  }
0x266: {  	s4 =	sshrl.u32 s26, $0x3;
	v21 =	vor.u32 v24, v28;
	v0 =	vand.u32 $0x1C00, v0;
	v6 =	vand.u32 $0x1C00, v6;
	[tilespmem:s0+$0x1C390] =	vst v8;
	v8 =	vld.idx.msk [tilespmem:v15+s10+$0x0], $0xffff  }
0x267: {  	s4 =	sadd.s32 s1, s4;
	v15 =	vshrl.u32 v23, $0x3;
	[tilespmem:s0+$0x1C380] =	vst v17;
	v17 =	vand.u32 $0xFFFFE07F, v19;
	v19 =	vor.u32 v25, v29  }
0x268: {  	s5 =	simm.s32 $0x8;
	s6 =	simm.s32 $0x400;
	s4 =	sadd.s32 $0x1770, s4;
	[tilespmem:s0+$0x1C3B0] =	vst v27;
	v13 =	vshrl.u32 v20, $0x3;
	v20 =	vand.u32 $0xFFFFE07F, v22;
	v22 =	vand.u32 $0xFFFFE07F, v23  }
.LBB2_34:
0x269: {  	s7 =	sshra.s32 s6, $0x2;
	s5 =	sadd.s32 $0x8, s5;
	v1 =	vor.u32 v1, v16;
	v0 =	vor.u32 v0, v17;
	v2 =	vor.u32 v2, v18;
	[tilespmem:s0+$0x1C3C0] =	vst v5  }
0x26a: {  	v4 =	vand.u32 $0x380, v4;
	v3 =	vor.u32 v3, v20;
	v6 =	vor.u32 v6, v22;
	v5 =	vld [tilespmem:s7+$0xBBF0];
	p0 =	slt.u32 s5, $0x70;
	[tilespmem:s2+$0x1C3F0] =	vst v7  }
0x26b: {  	v9 =	vand.u32 $0x380, v9;
	v11 =	vand.u32 $0x380, v11;
	v12 =	vand.u32 $0x380, v12;
	v7 =	vld [tilespmem:s7+$0xBB80];
	[tilespmem:s0+$0x1C3D0] =	vst v8  }
0x26c: {  	v13 =	vand.u32 $0x380, v13;
	v14 =	vand.u32 $0x380, v14;
	v15 =	vand.u32 $0x380, v15;
	v8 =	vld [tilespmem:s7+$0xBB90];
	[tilespmem:s0+$0x1C3E0] =	vst v10;
	s0 =	smov.u32 s2;
	s2 =	smov.u32 s7  }
0x26d: {  	v4 =	vor.u32 v4, v21;
	v9 =	vor.u32 v9, v19;
	v11 =	vor.u32 v11, v1;
	v10 =	vld [tilespmem:s2+$0xBBA0]  }
0x26e: {  	v12 =	vor.u32 v12, v0;
	v13 =	vor.u32 v13, v2;
	v14 =	vor.u32 v14, v3;
	v17 =	vld [tilespmem:s2+$0xBBB0]  }
0x26f: {  	v15 =	vor.u32 v15, v6;
	v18 =	vld [tilespmem:s2+$0xBBC0];
	v0 =	vshll.u32 v5, $0x3  }
0x270: {  	v1 =	vshrl.u32 v5, $0x3;
	v2 =	vand.u32 $0xFFFFE07F, v5;
	v19 =	vld [tilespmem:s2+$0xBBD0];
	v0 =	vand.u32 $0x1C00, v0  }
0x271: {  	v3 =	vshll.u32 v7, $0x3;
	v1 =	vand.u32 $0x380, v1;
	v22 =	vld [tilespmem:s2+$0xBBE0];
	v0 =	vor.u32 v0, v2  }
0x272: {  	v2 =	vshll.u32 v8, $0x3;
	v5 =	vshll.u32 v10, $0x3;
	v16 =	vor.u32 v1, v0;
	v20 =	vld.idx.msk [tilespmem:v4+s10+$0x0], $0xffff  }
0x273: {  	v21 =	vand.u32 $0x1C00, v3;
	v23 =	vand.u32 $0x1C00, v2;
	v0 =	vshll.u32 v17, $0x3;
	v24 =	vld.idx.msk [tilespmem:v9+s10+$0x0], $0xffff  }
0x274: {  	v1 =	vand.u32 $0x1C00, v5;
	v0 =	vand.u32 $0x1C00, v0;
	v2 =	vshll.u32 v18, $0x3;
	v25 =	vld.idx.msk [tilespmem:v11+s10+$0x0], $0xffff  }
0x275: {  	v4 =	vshrl.u32 v7, $0x3;
	v2 =	vand.u32 $0x1C00, v2;
	v3 =	vshll.u32 v19, $0x3;
	v26 =	vld.idx.msk [tilespmem:v12+s10+$0x0], $0xffff  }
0x276: {  	v27 =	vand.u32 $0xFFFFE07F, v7;
	v3 =	vand.u32 $0x1C00, v3;
	v6 =	vshll.u32 v22, $0x3;
	v5 =	vld.idx.msk [tilespmem:v13+s10+$0x0], $0xffff  }
.Ltmp16:
0x277: {  	v28 =	vand.u32 $0xFFFFE07F, v8;
	v9 =	vshrl.u32 v8, $0x3;
	v6 =	vand.u32 $0x1C00, v6;
	v7 =	vld.idx.msk [tilespmem:v16+s10+$0x0], $0xffff;
	(pc) =	sbr.rel @p0 .LBB2_34-.Ltmp16, $4  }
0x278: {  	v11 =	vshrl.u32 v10, $0x3;
	v12 =	vshrl.u32 v17, $0x3;
	v16 =	vand.u32 $0xFFFFE07F, v10;
	[tilespmem:s0+$0x1C380] =	vst v20;
	v8 =	vld.idx.msk [tilespmem:v14+s10+$0x0], $0xffff  }
0x279: {  	v17 =	vand.u32 $0xFFFFE07F, v17;
	v13 =	vshrl.u32 v18, $0x3;
	v18 =	vand.u32 $0xFFFFE07F, v18;
	[tilespmem:s0+$0x1C390] =	vst v24;
	v10 =	vld.idx.msk [tilespmem:v15+s10+$0x0], $0xffff  }
0x27a: {  	v14 =	vshrl.u32 v19, $0x3;
	v20 =	vand.u32 $0xFFFFE07F, v19;
	v15 =	vshrl.u32 v22, $0x3;
	[tilespmem:s0+$0x1C3A0] =	vst v25  }
0x27b: {  	s6 =	sadd.s32 $0x200, s6;
	v21 =	vor.u32 v21, v27;
	v19 =	vor.u32 v23, v28;
	v22 =	vand.u32 $0xFFFFE07F, v22;
	[tilespmem:s0+$0x1C3B0] =	vst v26  }
0x27c: {  	v4 =	vand.u32 $0x380, v4  }
0x27d: {  	v9 =	vand.u32 $0x380, v9;
	v4 =	vor.u32 v4, v21  }
0x27e: {  	v1 =	vor.u32 v1, v16;
	v11 =	vand.u32 $0x380, v11;
	v9 =	vor.u32 v9, v19  }
0x27f: {  	v0 =	vor.u32 v0, v17;
	v12 =	vand.u32 $0x380, v12;
	v1 =	vor.u32 v11, v1  }
0x280: {  	v2 =	vor.u32 v2, v18;
	v58 =	vand.u32 $0x380, v13;
	v0 =	vor.u32 v12, v0  }
0x281: {  	v3 =	vor.u32 v3, v20;
	v59 =	vand.u32 $0x380, v14;
	v2 =	vor.u32 v58, v2  }
0x282: {  	v6 =	vor.u32 v6, v22;
	v60 =	vand.u32 $0x380, v15;
	v3 =	vor.u32 v59, v3;
	v4 =	vld.idx.msk [tilespmem:v4+s10+$0x0], $0xffff  }
0x283: {  	[tilespmem:s0+$0x1C3C0] =	vst v5;
	v61 =	vor.u32 v60, v6;
	v62 =	vld.idx.msk [tilespmem:v9+s10+$0x0], $0xffff  }
0x284: {  	[tilespmem:s2+$0x1C3F0] =	vst v7;
	v1 =	vld.idx.msk [tilespmem:v1+s10+$0x0], $0xffff  }
0x285: {  	[tilespmem:s0+$0x1C3D0] =	vst v8;
	v0 =	vld.idx.msk [tilespmem:v0+s10+$0x0], $0xffff  }
0x286: {  	[tilespmem:s0+$0x1C3E0] =	vst v10;
	v2 =	vld.idx.msk [tilespmem:v2+s10+$0x0], $0xffff  }
0x287: {  	v3 =	vld.idx.msk [tilespmem:v3+s10+$0x0], $0xffff;
	[tilespmem:s2+$0x1C380] =	vst v4  }
0x288: {  	v63 =	vld.idx.msk [tilespmem:v61+s10+$0x0], $0xffff;
	[tilespmem:s2+$0x1C390] =	vst v62  }
0x289: {  	[tilespmem:s2+$0x1C3A0] =	vst v1  }
0x28a: {  	[tilespmem:s2+$0x1C3B0] =	vst v0  }
0x28b: {  	[tilespmem:s2+$0x1C3C0] =	vst v2  }
0x28c: {  	[tilespmem:s2+$0x1C3D0] =	vst v3  }
0x28d: {  	s5 =	simm.s32 $0x780;
	[tilespmem:s2+$0x1C3E0] =	vst v63  }
0x28e: {  	s6 =	simm.s32 $0x1CB00;
	s25 =	simm.s32 $0x3;
	s21 =	rddreg [dreg:$0x4]  }
0x28f: {  	s26 =	simm.s32 $0x4;
	s0 =	simm.s32 $0xBB80;
	s24 =	rddreg [dreg:$0x6]  }
.LBB2_36:
0x290: {  	s2 =	sand.u32 $0x3FFFFF80, s5  }
0x291: {  	s2 =	sadd.s32 s2, s0  }
0x292: {  	v0 =	vld [tilespmem:s2+$0x0];
	_ =	sdelay $0x4  }
0x293: {  	v1 =	vshll.u32 v0, $0x3  }
0x294: {  	v2 =	vshrl.u32 v0, $0x3;
	v0 =	vand.u32 $0xFFFFE07F, v0;
	v1 =	vand.u32 $0x1C00, v1  }
0x295: {  	v2 =	vand.u32 $0x380, v2;
	v0 =	vor.u32 v1, v0  }
0x296: {  	v0 =	vor.u32 v2, v0;
	_ =	sdelay $0x4  }
0x297: {  	p0 =	sne.s32 s5, $0x7C0;
	v0 =	vld.idx.msk [tilespmem:v0+s10+$0x0], $0xffff  }
.Ltmp17:
0x298: {  	_ = 	snop;
	(pc) =	sbr.rel @p0 .LBB2_36-.Ltmp17, $2  }
0x299: {  	_ =	sdelay $0x2  }
0x29a: {  	s5 =	sadd.s32 $0x10, s5;
	s0 =	sadd.s32 $0x10, s0;
	[tilespmem:s6+$0x0] =	vst v0;
	s6 =	sadd.s32 $0x10, s6  }
0x29b: {  	[hbm4b:s4+s3] =	stream.linear.scatter [tilespmem:s20], [sflag:$0x1], $0x7D0, $0x38;
	[tilespmem:$0x1F380] =	vst v63  }
0x29c: {  	s5 =	rddreg [dreg:$0xb]  }
0x29d: {  	s0 =	rddreg [dreg:$0xc];
	p0 =	seq.s32 s5, $0x7  }
0x29e: {  	s2 =	rddreg [dreg:$0x8];
	s31 =	simm.s32 $0x2;
	s0 =	sshll.u32 @!p0 s0, $0xD  }
0x29f: {  	s4 =	simm.s32 @!p0 $0xC380;
	s0 =	sadd.s32 @!p0 s0, s2;
	s2 =	simm.s32 @!p0 $0x0  }
0x2a0: {  	[tilespmem:s4], [sflag:$0x6] =	stream.linear.gather @!p0 [hbm4b:s0+s2], $0x10000, $0x38;
	[tilespmem:$0x1F380] =	vst v63  }
0x2a1: {  	_ =	swait.ge [sflag:s31], $0x7D0  }
0x2a2: {  	[sflag:s31] =	ssyncset.done $0x0  }
0x2a3: {  	[sflag:s31] =	ssyncadd.s32 $0xFFFFF830  }
0x2a4: {  	_ =	swait.ge [sflag:s25], $0x7D0  }
0x2a5: {  	[sflag:s25] =	ssyncset.done $0x0  }
0x2a6: {  	s6 =	sadd.s32 $0x1, s5;
	[sflag:s25] =	ssyncadd.s32 $0xFFFFF830  }
0x2a7: {  	p0 =	sne.s32 s6, $0x8;
	_ =	swait.ge [sflag:s26], $0x7D0  }
.Ltmp18:
0x2a8: {  	[sflag:s26] =	ssyncset.done $0x0;
	(pc) =	sbr.rel @p0 .LBB2_15-.Ltmp18, $4  }
0x2a9: {  	[sflag:s26] =	ssyncadd.s32 $0xFFFFF830  }
0x2aa: {  	_ =	swait.ge [sflag:s8], $0x7D0  }
0x2ab: {  	[sflag:s8] =	ssyncset.done $0x0  }
0x2ac: {  	[sflag:s8] =	ssyncadd.s32 $0xFFFFF830  }
0x2ad: {  	s2 =	rddreg [dreg:$0xa]  }
0x2ae: {  	s0 =	rddreg [dreg:$0x9];
	s2 =	sadd.s32 $0x1, s2  }
0x2af: {  	p0 =	sne.s32 s2, s0  }
.Ltmp19:
0x2b0: {  	_ = 	snop;
	(pc) =	sbr.rel @p0 .LBB2_1-.Ltmp19, $2  }
0x2b1: {  	_ =	sdelay $0x2  }
0x2b2: {  	s28 =	simm.s32 $0x1E380;
	s29 =	simm.s32 $0x1EB80  }
0x2b3: {  	_ =	sfence.sel $0x180000  }
0x2b4: {  	[bflag:$0x0] =	sbarrier.arrive $0xFFFF  }
0x2b5: {  	_ =	strace $0x90000047  }
0x2b6: {  	s0 =	stileid.u32;
	[bflag:$0x2] =	sbarrier.arrive $0xFFFF  }
0x2b7: {  	p0 =	sne.s32 s0, $0x0;
	s0 =	rddreg [dreg:$0x3]  }
0x2b8: {  	s0 =	sadd.s32 @!p0 $0x100000, s0  }
0x2b9: {  	[sflag:s0] =	ssyncadd.tile.s32 @!p0 $0x1;
	_ =	shalt  }
.Lfunc_end2:
_tile_overlayer_lowered:
.L_overlay_start_2:
0x2ba: {  	(tag) =	ssettag $0x2  }
0x2bb: {  	s0 =	rddreg [dreg:$0x0];
	s2 =	stileid.u32  }
0x2bc: {  	s1 =	rddreg [dreg:$0x1];
	p0 =	sne.s32 s2, $0x0  }
0x2bd: {  	s3 =	rddreg [dreg:$0x2];
	[bflag:$0x3] =	sbarrier.arrive $0xFFFF;
	s2 =	simm.s32 @!p0 $0x1C07  }
0x2be: {  	[timem:s3], [sflag:s2] =	dma.local @!p0 [hbm:s0], s1  }
0x2bf: {  	s0 =	simm.s32 @!p0 $0x7  }
0x2c0: {  	_ =	swait.ge @!p0 [sflag:s0], s1  }
0x2c1: {  	s1 =	ssub.s32 @!p0 $0x0, s1;
	[sflag:s0] =	ssyncset.done @!p0 $0x0  }
0x2c2: {  	[sflag:s0] =	ssyncadd.s32 @!p0 s1  }
0x2c3: {  	[bflag:$0x3] =	sbarrier.arrive $0xFFFF  }
0x2c4: {  	_ =	shalt  }

// kernel: sparse-core-data-format-call.cloned.1.call-start
scs
called_computation_lowered:
.L_overlay_start_0:
0x0: {  	s2 =	sld [smem:$0x3FD9]  }
0x1: {  	s3 =	sld [smem:$0x3FFE];
	_ =	sdelay $0x1  }
0x2: {  	s1 =	srdreg.scid  }
0x3: {  	s0 =	sand.u32 $0x1, s1  }
0x4: {  	s18 =	sshll.u32 s0, $0xA;
	s2 =	sadd.s32 s3, s2  }
0x5: {  	s2 =	sadd.s32 s2, s18  }
0x6: {  	[smem:$0x3FC5] =	sst s2  }
0x7: {  	_ = 	snop  }
0x8: {  	s2 =	sld [smem:$0x3FD0];
	(tm) =	ssettm $0x1  }
0x9: {  	s19 =	sld [smem:$0x3FFB];
	_ =	sdelay $0x3  }
0xa: {  	_ =	strace s19  }
0xb: {  	s3 =	sld [smem:$0x3FFC];
	_ =	sdelay $0x3  }
0xc: {  	_ =	strace s3  }
0xd: {  	s3 =	sld [smem:$0x3FFD];
	_ =	sdelay $0x3  }
0xe: {  	_ =	strace s3  }
0xf: {  	_ =	strace $0x8FFFFFFF  }
0x10: {  	s20 =	sld [smem:$0x3FDB];
	_ =	sdelay $0x1  }
0x11: {  	s4 =	simm.s32 $_scs_section_size  }
0x12: {  	s5 =	simm.s32 $_size__tile_overlayer_lowered;
	s6 =	simm.s32 $_tile_overlayer_lowered  }
0x13: {  	s23 =	simm.s32 $0x1BFF;
	s22 =	sshll.u32 s6, $0x1;
	s3 =	sadd.s32 s4, s20  }
0x14: {  	s7 =	simm.s32 $0x0;
	s21 =	sshll.u32 s5, $0x1;
	s5 =	sadd.s32 s22, s3  }
0x15: {  	[timem:s7], [sflag:s23] =	dma.local [hbm:s5], s21  }
0x16: {  	_ =	swait.ge [sflag:s23], s21  }
0x17: {  	s4 =	ssub.s32 $0x0, s21;
	[sflag:s23] =	ssyncset.done $0x0  }
0x18: {  	[sflag:s23] =	ssyncadd.s32 s4;
	_ =	sdelay $0x1  }
0x19: {  	s24 =	simm.s32 $0x1B8B  }
0x1a: {  	_ =	swait.ge [sflag:s24], $0x1  }
0x1b: {  	[sflag:s24] =	ssyncset.done $0x0  }
0x1c: {  	s26 =	simm.s32 $0x1B8E;
	s25 =	sld [smem:$0x3FFE];
	[sflag:s24] =	ssyncadd.s32 $0xFFFFFFFF  }
0x1d: {  	s27 =	simm.s32 $execute0_lowered;
	[smem:$0x3FD2] =	sst s26  }
0x1e: {  	s5 =	sshll.u32 s27, $0x1;
	_ =	strace $0x80000049;
	[dreg:$0x1] =	wrdreg $0xFFFFFFFF  }
0x1f: {  	s28 =	simm.s32 $_size_execute0_lowered;
	s3 =	sadd.s32 s3, s5;
	[dreg:$0x0] =	wrdreg $0x0  }
0x20: {  	s5 =	sshll.u32 s28, $0x1;
	[dreg:$0x2] =	wrdreg s3  }
0x21: {  	[dreg:$0x3] =	wrdreg s5  }
0x22: {  	[dreg:$0x4] =	wrdreg $0xC0  }
0x23: {  	_ =	task [dreg:s7], $0x5FFFF  }
0x24: {  	[dreg:$0x1] =	wrdreg $0xFFFFFFFF  }
0x25: {  	[dreg:$0x0] =	wrdreg $0x60  }
0x26: {  	[dreg:$0x2] =	wrdreg s25  }
0x27: {  	[dreg:$0x3] =	wrdreg s2  }
0x28: {  	[dreg:$0x4] =	wrdreg $0x9  }
0x29: {  	_ =	task.clear_ibuf [dreg:s7], $0x5FFFF;
	_ =	strace $0x90000049  }
0x2a: {  	s29 =	simm.s32 $0x9;
	_ =	strace $0x8000004B  }
0x2b: {  	_ =	swait.ge [sflag:s29], $0x1  }
0x2c: {  	[sflag:s29] =	ssyncadd.s32 $0xFFFFFFFF  }
0x2d: {  	_ =	strace $0x9000004B  }
0x2e: {  	_ =	sfence  }
0x2f: {  	s30 =	sld [smem:$0x0];
	_ =	sdelay $0x2  }
0x30: {  	s31 =	sshll.u32 s1, $0xD;
	s1 =	sshrl.u32 s1, $0x2  }
0x31: {  	s3 =	sand.u32 $0x4000, s31;
	s1 =	sadd.s32 s1, s30  }
0x32: {  	s0 =	sor.u32 s3, s0;
	s1 =	sshll.u32 s1, $0x11  }
0x33: {  	s0 =	sor.u32 s1, s0  }
0x34: {  	s0 =	sadd.s32 $0x8F2B, s0  }
0x35: {  	[sflag:s0] =	ssyncadd.remote.s32 $0x1  }
0x36: {  	_ =	sfence.sel $0xFFFF  }
0x37: {  	[dreg:$0x0] =	wrdreg $0xFFFFFFFF;
	(pc) =	sbr.abs _section_cstart, $3  }
0x38: {  	[dreg:$0x1] =	wrdreg $0xFFFFFFFF  }
0x39: {  	_ =	task.clear_ibuf [dreg:s7], $0x2FFFF;
	_ =	strace $0x9FFFFFFF  }
0x3a: {  	(tm) =	ssettm $0x7FFFFFFF  }
0x3b: {  	_ =	shalt  }
tec
execute0_lowered:
.L_overlay_start_1:
0x0: {  	(tag) =	ssettag $0x1  }
0x1: {  	s0 =	stileid.u32  }
0x2: {  	s1 =	srdreg.scid;
	s7 =	rddreg [dreg:$0x0];
	s31 =	simm.s32 $0x2  }
0x3: {  	s16 =	simm.s32 $0x0;
	p0 =	por $0x0, $0x0;
	s9 =	simm.s32 $0x800  }
0x4: {  	s15 =	simm.s32 $0x0;
	s10 =	simm.s32 $0x0;
	s11 =	simm.s32 $0x0  }
0x5: {  	s2 =	sshll.u32 s0, $0x7;
	s3 =	sshll.u32 s0, $0x6;
	s4 =	sshll.u32 s1, $0xA  }
0x6: {  	s14 =	simm.s32 $0x0;
	s1 =	sand.u32 $0x80, s2;
	s29 =	sor.u32 s3, s4  }
0x7: {  	s4 =	rddreg [dreg:$0x1];
	s3 =	sand.u32 $0x780, s29;
	s30 =	ssub.s32 $0x100, s1  }
0x8: {  	s5 =	sshrl.u32 s30, $0x7;
	s6 =	ssub.s32 $0xC300, s3;
	s8 =	sshrl.u32 s30, $0x8  }
.Ltmp0:
0x9: {  	s5 =	sand.u32 $0x1, s5;
	s6 =	sshrl.u32 s6, $0xB;
	(pc) =	sbr.rel .LBB1_1-.Ltmp0, $4  }
0xa: {  	s2 =	rddreg [dreg:$0x2];
	s8 =	sadd.s32 s8, s5;
	s6 =	sadd.s32 $0x1, s6  }
0xb: {  	_ =	strace $0x8000004A;
	s5 =	simm.s32 $0x1;
	s6 =	smul.u32 s8, s6  }
0xc: {  	s7 =	sadd.s32 $0x800, s7;
	s13 =	smov.u32 s1;
	[sflag:s5] =	ssyncpa.u1 $0x0  }
0xd: {  	s12 =	smov.u32 s3;
	[sflag:s31] =	ssyncpa.u1 $0x0;
	s8 =	sadd.s32 $0x1, s6  }
.LBB1_4:
0xe: {  	s21 =	sshra.s32 s21, $0x2;
	s22 =	sshll.u32 s10, $0x8  }
0xf: {  	s23 =	sshll.u32 s11, $0x3;
	s24 =	sshll.u32 s10, $0x7;
	s27 =	sand.u32 $0x78, s11  }
0x10: {  	p1 =	sgt.s32 s10, $0xC2D0;
	s22 =	sand.u32 $0xFFFFF800, s22;
	s23 =	sand.u32 $0xFFFFFC00, s23  }
0x11: {  	s20 =	sadd.s32 s21, s20;
	s26 =	sand.u32 $0x300, s24;
	s28 =	sand.u32 $0x80, s24  }
0x12: {  	v5 =	vld [tilespmem:s18+$0xFFFFFFD0];
	[tilespmem:s19+$0x2040 ss:$0x81] =	vst.msk $0xffff, v4;
	s25 =	sadd.s32 s23, s22;
	s22 =	sor.u32 s27, s28;
	s23 =	smov.u32 s10  }
0x13: {  	v58 =	vld [tilespmem:s18+$0xFFFFFFE0];
	[tilespmem:s19+$0x2850 ss:$0x81] =	vst.msk $0xffff, v3;
	s21 =	sor.u32 s26, s25;
	s23 =	simm.s32 @!p1 $0xC2D0;
	s25 =	sshra.s32 s10, $0x1F  }
0x14: {  	v59 =	vld [tilespmem:s18+$0xFFFFFFF0];
	[tilespmem:s19+$0x3060 ss:$0x81] =	vst.msk $0xffff, v2;
	p1 =	sgt.s32 s11, $0x80;
	s26 =	sshra.s32 s11, $0x1F;
	s21 =	sshrl.u32 s21, $0x8  }
0x15: {  	v60 =	vld [tilespmem:s18+$0x0];
	[tilespmem:s19+$0x0 ss:$0x81] =	vst.msk $0xffff, v1;
	s30 =	sand.u32 s25, s10;
	s25 =	smov.u32 s11;
	s31 =	sand.u32 s26, s11  }
0x16: {  	v61 =	vld [tilespmem:s18+$0x10];
	[tilespmem:s20+$0x3870 ss:$0x81] =	vst.msk $0xffff, v0;
	s29 =	smulhi.u32 $0x14F8B59, s21;
	s19 =	ssub.s32 s23, s30;
	s25 =	simm.s32 @!p1 $0x80  }
0x17: {  	v62 =	vld [tilespmem:s18+$0x20];
	[tilespmem:s20+$0x810 ss:$0x81] =	vst.msk $0xffff, v5;
	s23 =	ssub.s32 s25, s31;
	s26 =	sadd.s32 $0xFFFF3D30, s19;
	s19 =	ssub.s32 $0xC350, s19  }
0x18: {  	v63 =	vld [tilespmem:s18+$0xFFFFFFC0];
	[tilespmem:s20+$0x1020 ss:$0x81] =	vst.msk $0xffff, v58;
	s24 =	sshrl.u32 s29, $0x8;
	p1 =	sgt.s32 s26, $0x7F;
	s28 =	sadd.s32 $0xFFFFFF80, s23  }
0x19: {  	[tilespmem:s20+$0x1830 ss:$0x81] =	vst.msk $0xffff, v59;
	s23 =	ssub.s32 $0x100, s23;
	s27 =	smul.u32 $0xC350, s24;
	p2 =	sgt.s32 s28, $0x7F  }
0x1a: {  	[tilespmem:s20+$0x2040 ss:$0x81] =	vst.msk $0xffff, v60;
	s30 =	sand.u32 $0x7, s11;
	s19 =	simm.s32 @p1 $0x0;
	s23 =	simm.s32 @p2 $0x0  }
0x1b: {  	[tilespmem:s20+$0x2850 ss:$0x81] =	vst.msk $0xffff, v61;
	s29 =	sshrl.u32 s22, $0x3;
	s18 =	ssub.s32 s21, s27;
	s19 =	smul.u32 s23, s19  }
0x1c: {  	[tilespmem:s20+$0x3060 ss:$0x81] =	vst.msk $0xffff, v62;
	s22 =	sshll.u32 s30, $0x12;
	s21 =	sadd.s32 s4, s29;
	s18 =	sshll.u32 s18, $0x5  }
0x1d: {  	[tilespmem:s20+$0x0 ss:$0x81] =	vst.msk $0xffff, v63;
	s31 =	sor.u32 $0x400, s22;
	s19 =	sand.u32 $0x3FFFFFFF, s19;
	s18 =	sadd.s32 s18, s21  }
0x1e: {  	[hbm4b:s18+s31] =	stream.strided.scatter [tilespmem:s17], [sflag:$0x2], s19, s9, s31, $0x20;
	[tilespmem:$0x10100] =	vst v63  }
.LBB1_5:
0x1f: {  	p1 =	slt.u32 s14, $0x2  }
0x20: {  	s18 =	smov.u32 s16;
	p2 =	sgt.s32 @!p1 s16, $0xC2D0;
	s17 =	sshra.s32 @!p1 s16, $0x1F  }
0x21: {  	p3 =	sgt.s32 @!p1 s15, $0x80;
	s19 =	sshra.s32 @!p1 s15, $0x1F;
	p2 =	por !p2, p1  }
0x22: {  	s16 =	sand.u32 @!p1 s17, s16;
	p3 =	por !p3, p1;
	s17 =	smov.u32 s15  }
0x23: {  	s15 =	sand.u32 @!p1 s19, s15;
	s18 =	simm.s32 @p2 $0xC2D0;
	s17 =	simm.s32 @p3 $0x80  }
0x24: {  	s16 =	ssub.s32 @!p1 s18, s16;
	s15 =	ssub.s32 @!p1 s17, s15  }
0x25: {  	s19 =	smov.u32 s13;
	s17 =	sadd.s32 @!p1 $0xFFFF3D30, s16;
	s18 =	sadd.s32 @!p1 $0xFFFFFF80, s15  }
0x26: {  	s16 =	ssub.s32 @!p1 $0xC350, s16;
	p2 =	sgt.s32 @!p1 s17, $0x7F;
	p3 =	sgt.s32 @!p1 s18, $0x7F  }
0x27: {  	s15 =	ssub.s32 @!p1 $0x100, s15;
	p2 =	por !p2, p1;
	p3 =	por !p3, p1  }
0x28: {  	s17 =	sadd.s32 $0x800, s12;
	s16 =	simm.s32 @!p2 $0x0;
	s15 =	simm.s32 @!p3 $0x0  }
0x29: {  	p2 =	sgt.s32 s17, $0xC34F;
	s15 =	smul.u32 @!p1 s15, s16;
	s16 =	sadd.s32 $0x100, s13  }
0x2a: {  	s19 =	smov.u32 @p2 s16  }
0x2b: {  	s17 =	smov.u32 @p2 s3;
	p2 =	sgt.s32 s19, $0xFF  }
0x2c: {  	s19 =	smov.u32 @p2 s1;
	p2 =	sne.s32 s14, s8  }
.Ltmp1:
0x2d: {  	p0 =	por !p0, !p0;
	s18 =	simm.s32 @!p1 $0x2;
	(pc) =	sbr.rel @!p2 .LBB1_6-.Ltmp1, $4  }
0x2e: {  	s16 =	smov.u32 s10;
	s10 =	smov.u32 s12;
	s15 =	sand.u32 @!p1 $0x3FFFFFFF, s15  }
0x2f: {  	s12 =	smov.u32 s17;
	_ =	swait.ge @!p1 [sflag:s18], s15;
	s20 =	ssub.s32 @!p1 $0x0, s15  }
0x30: {  	s15 =	smov.u32 s11;
	s14 =	sadd.s32 $0x1, s14;
	[sflag:s18] =	ssyncset.done @!p1 $0x0  }
0x31: {  	s11 =	smov.u32 s13;
	s13 =	smov.u32 s19;
	[sflag:s18] =	ssyncadd.s32 @!p1 s20  }
.LBB1_1:
0x32: {  	p1 =	sge.u32 s14, s6  }
0x33: {  	s17 =	sshrl.u32 @!p1 s13, $0x3  }
0x34: {  	s18 =	sshll.u32 @!p1 s12, $0x3;
	s17 =	smul.u32 @!p1 $0x61C00, s17  }
0x35: {  	s19 =	sshll.u32 @!p1 s13, $0x7;
	s18 =	sand.u32 @!p1 $0xFFFFFC00, s18  }
0x36: {  	s17 =	sadd.s32 @!p1 s17, s18;
	s18 =	sand.u32 @!p1 $0x380, s19  }
0x37: {  	s19 =	sand.u32 @!p1 $0x7F, s12;
	s17 =	sor.u32 @!p1 s18, s17  }
0x38: {  	s18 =	sor.u32 @!p1 s19, s17  }
0x39: {  	s19 =	smulhi.u32 @!p1 $0xA79C7B17, s18;
	_ =	sdelay $0x1  }
0x3a: {  	s17 =	smulhi.u32 @!p1 $0xA79C7B17, s17;
	s19 =	sshrl.u32 @!p1 s19, $0xF  }
0x3b: {  	s19 =	smul.u32 @!p1 $0xC380, s19  }
0x3c: {  	s31 =	sadd.s32 $0xFFFFFFFF, s14;
	s20 =	sxor.u32 @!p1 $0xFFFFFFFF, s14;
	s17 =	sshrl.u32 @!p1 s17, $0xF  }
0x3d: {  	s20 =	sshll.u32 @!p1 s20, $0xE;
	s17 =	sand.u32 @!p1 $0xFF, s17;
	s18 =	ssub.s32 @!p1 s18, s19  }
0x3e: {  	s17 =	smul.u32 @!p1 $0x1870, s17;
	s19 =	sshrl.u32 @!p1 s18, $0x3;
	s18 =	sand.u32 @!p1 $0x7, s18  }
0x3f: {  	s20 =	sand.u32 @!p1 $0x4000, s20;
	s19 =	sadd.s32 @!p1 s7, s19;
	s18 =	sshll.u32 @!p1 s18, $0x12  }
0x40: {  	s17 =	sadd.s32 @!p1 s17, s19;
	s18 =	sor.u32 @!p1 $0x400, s18;
	s19 =	simm.s32 @!p1 $0x61C00  }
0x41: {  	[tilespmem:s20], [sflag:$0x1] =	stream.strided.gather @!p1 [hbm4b:s17+s18], $0x4000, s19, s18, $0x38;
	[tilespmem:$0x10100] =	vst v63  }
0x42: {  	p1 =	sge.u32 s31, s6  }
.Ltmp2:
0x43: {  	_ = 	snop;
	(pc) =	sbr.rel @p1 .LBB1_5-.Ltmp2, $1  }
0x44: {  	_ =	sdelay $0x3  }
0x45: {  	s17 =	simm.s32 $0x1  }
0x46: {  	_ =	swait.ge [sflag:s5], $0x4000;
	s17 =	simm.s32 @!p0 $0x0  }
0x47: {  	[sflag:s5] =	ssyncset.done $0x0;
	s18 =	sshll.u32 s17, $0xE  }
0x48: {  	[sflag:s5] =	ssyncadd.s32 $0xFFFFC000;
	s18 =	sor.u32 $0x40, s18  }
0x49: {  	s17 =	smul.u32 $0x10200, s17;
	v0 =	vld [tilespmem:s18+$0x30]  }
0x4a: {  	v1 =	vld [tilespmem:s18+$0xFFFFFFD0]  }
0x4b: {  	s17 =	sshrl.u32 s17, $0x2;
	v5 =	vld [tilespmem:s18+$0xFFFFFFE0]  }
0x4c: {  	v6 =	vld [tilespmem:s18+$0xFFFFFFF0];
	s20 =	sor.u32 $0x8000, s17  }
0x4d: {  	s31 =	sand.u32 $0x1, s14;
	v4 =	vld [tilespmem:s18+$0x0];
	s19 =	sadd.s32 $0x0, s20  }
0x4e: {  	v3 =	vld [tilespmem:s18+$0x10];
	s17 =	smul.u32 $0x10200, s31;
	[tilespmem:s19+$0x3870 ss:$0x81] =	vst.msk $0xffff, v0  }
0x4f: {  	v2 =	vld [tilespmem:s18+$0x20];
	[tilespmem:s19+$0x810 ss:$0x81] =	vst.msk $0xffff, v1  }
0x50: {  	s17 =	sshrl.u32 s17, $0x2;
	v1 =	vld [tilespmem:s18+$0xFFFFFFC0];
	[tilespmem:s19+$0x1020 ss:$0x81] =	vst.msk $0xffff, v5;
	s18 =	sadd.s32 $0x80, s18  }
0x51: {  	s21 =	simm.s32 $0x4;
	s22 =	simm.s32 $0x8;
	s17 =	sor.u32 $0x8000, s17;
	[tilespmem:s19+$0x1830 ss:$0x81] =	vst.msk $0xffff, v6;
	v0 =	vld [tilespmem:s18+$0x30]  }
.LBB1_3:
0x52: {  	p1 =	sne.s32 s22, $0x1FC;
	v5 =	vld [tilespmem:s18+$0xFFFFFFD0];
	[tilespmem:s19+$0x2040 ss:$0x81] =	vst.msk $0xffff, v4  }
0x53: {  	v6 =	vld [tilespmem:s18+$0xFFFFFFE0];
	[tilespmem:s19+$0x2850 ss:$0x81] =	vst.msk $0xffff, v3  }
0x54: {  	s23 =	sshra.s32 s21, $0x2;
	s21 =	smov.u32 s22;
	v7 =	vld [tilespmem:s18+$0xFFFFFFF0];
	[tilespmem:s19+$0x3060 ss:$0x81] =	vst.msk $0xffff, v2  }
.Ltmp3:
0x55: {  	v4 =	vld [tilespmem:s18+$0x0];
	[tilespmem:s19+$0x0 ss:$0x81] =	vst.msk $0xffff, v1;
	s19 =	sadd.s32 s23, s20;
	(pc) =	sbr.rel @p1 .LBB1_3-.Ltmp3, $4  }
0x56: {  	v3 =	vld [tilespmem:s18+$0x10];
	[tilespmem:s19+$0x3870 ss:$0x81] =	vst.msk $0xffff, v0  }
0x57: {  	[tilespmem:s19+$0x810 ss:$0x81] =	vst.msk $0xffff, v5;
	v2 =	vld [tilespmem:s18+$0x20]  }
0x58: {  	v1 =	vld [tilespmem:s18+$0xFFFFFFC0];
	[tilespmem:s19+$0x1020 ss:$0x81] =	vst.msk $0xffff, v6;
	s18 =	sadd.s32 $0x80, s18  }
0x59: {  	s22 =	sadd.s32 $0x4, s22;
	v0 =	vld [tilespmem:s18+$0x30];
	[tilespmem:s19+$0x1830 ss:$0x81] =	vst.msk $0xffff, v7  }
.Ltmp4:
0x5a: {  	_ = 	snop;
	(pc) =	sbr.rel .LBB1_4-.Ltmp4, $1  }
0x5b: {  	_ =	sdelay $0x3  }
.LBB1_6:
0x5c: {  	_ =	sfence.sel $0x180000  }
0x5d: {  	s1 =	simm.s32 $0x1;
	[bflag:$0x0] =	sbarrier.arrive $0xFFFF  }
0x5e: {  	s31 =	simm.s32 $0x2;
	[sflag:s1] =	ssyncpa.u1 $0x1  }
0x5f: {  	[sflag:s31] =	ssyncpa.u1 $0x1  }
0x60: {  	p0 =	sne.s32 s0, $0x0;
	_ =	strace $0x9000004A  }
0x61: {  	s0 =	sadd.s32 @!p0 $0x100000, s2;
	[bflag:$0x2] =	sbarrier.arrive $0xFFFF  }
0x62: {  	[sflag:s0] =	ssyncadd.tile.s32 @!p0 $0x1;
	_ =	shalt  }
.Lfunc_end1:
_tile_overlayer_lowered:
.L_overlay_start_2:
0x63: {  	(tag) =	ssettag $0x2  }
0x64: {  	s0 =	rddreg [dreg:$0x0];
	s2 =	stileid.u32  }
0x65: {  	s1 =	rddreg [dreg:$0x1];
	p0 =	sne.s32 s2, $0x0  }
0x66: {  	s3 =	rddreg [dreg:$0x2];
	[bflag:$0x3] =	sbarrier.arrive $0xFFFF;
	s2 =	simm.s32 @!p0 $0x1C01  }
0x67: {  	[timem:s3], [sflag:s2] =	dma.local @!p0 [hbm:s0], s1  }
0x68: {  	s0 =	simm.s32 @!p0 $0x1  }
0x69: {  	_ =	swait.ge @!p0 [sflag:s0], s1  }
0x6a: {  	s1 =	ssub.s32 @!p0 $0x0, s1;
	[sflag:s0] =	ssyncset.done @!p0 $0x0  }
0x6b: {  	[sflag:s0] =	ssyncadd.s32 @!p0 s1  }
0x6c: {  	[bflag:$0x3] =	sbarrier.arrive $0xFFFF  }
0x6d: {  	_ =	shalt  }

</sc_bundles>
